<compile_context>
chip_gen: v7x
topology: tpu7x:2x2x1
jax: 0.10.2.dev20260603
libtpu: 0.0.44.dev20260713+nightly
codegen_flags: <defaults>
</compile_context>

<pallas_src>
import functools

import jax
import jax.numpy as jnp
from jax import lax
from jax.experimental import pallas as pl
from jax.experimental.pallas import tpu as pltpu
from jax.experimental.pallas import tpu_sc as plsc

LATENT = 1024
WORD = 64
NWORDS = 1024
B = 4608
NTOK = B * (LATENT // WORD)

ROWS_PER_BLOCK = 6144
NBLOCKS = NTOK // ROWS_PER_BLOCK

_NC, _NS = 2, 16
_NW = _NC * _NS
_B_PER_W = NTOK // _NW
_NCHUNK = 3
_CHUNK = _B_PER_W // _NCHUNK


def _distance_argmin_body(z_ref, emb_ref, fiota_ref, idx_ref, loss_ref):
    z = z_ref[...]
    e = emb_ref[...]
    zsq = jnp.sum(z * z, axis=1, keepdims=True)
    esq = jnp.sum(e * e, axis=1)
    dot2 = lax.dot_general(
        z + z, e, dimension_numbers=(((1,), (1,)), ((), ())),
        preferred_element_type=jnp.float32)
    d = (zsq + esq[None, :]) - dot2
    mn = jnp.min(d, axis=1)
    idxf = jnp.min(jnp.where(d == mn[:, None], fiota_ref[...], 65536.0), axis=1)
    idx = idxf.astype(jnp.int32)
    idx_ref[...] = idx.reshape(idx_ref.shape)

    @pl.when(pl.program_id(0) == 0)
    def _():
        loss_ref[0, 0] = 0.0

    loss_ref[0, 0] += jnp.sum(mn)


def _tc_distance_argmin(z_flat, emb, base_block, nblocks):
    call = pl.pallas_call(
        _distance_argmin_body,
        grid=(nblocks,),
        in_specs=[
            pl.BlockSpec((ROWS_PER_BLOCK, WORD), lambda i: (i + base_block, 0)),
            pl.BlockSpec((NWORDS, WORD), lambda i: (0, 0)),
            pl.BlockSpec((1, NWORDS), lambda i: (0, 0)),
        ],
        out_specs=[
            pl.BlockSpec((ROWS_PER_BLOCK // 128, 128), lambda i: (i, 0)),
            pl.BlockSpec(memory_space=pltpu.SMEM),
        ],
        out_shape=[
            jax.ShapeDtypeStruct((nblocks * ROWS_PER_BLOCK // 128, 128),
                                 jnp.int32),
            jax.ShapeDtypeStruct((1, 1), jnp.float32),
        ],
    )
    fiota = lax.broadcasted_iota(jnp.float32, (1, NWORDS), 1)
    return call(z_flat, emb, fiota)


@functools.lru_cache(maxsize=4)
def _make_sc_gather(nrows):
    bpw = nrows // _NW
    nchunk = 2 if bpw <= 2048 else 3
    chunk = bpw // nchunk

    @functools.partial(
        pl.kernel,
        mesh=plsc.VectorSubcoreMesh(core_axis_name="c", subcore_axis_name="s"),
        out_type=jax.ShapeDtypeStruct((nrows, WORD), jnp.float32),
        scratch_types=[
            pltpu.VMEM((bpw,), jnp.int32),
            pltpu.VMEM((chunk, WORD), jnp.float32),
            pltpu.VMEM((chunk, WORD), jnp.float32),
            pltpu.SemaphoreType.DMA,
            pltpu.SemaphoreType.DMA,
            pltpu.SemaphoreType.DMA,
            pltpu.SemaphoreType.DMA,
        ],
        compiler_params=pltpu.CompilerParams(use_tc_tiling_on_sc=False),
    )
    def _sc_gather(emb_hbm, idx_hbm, out_hbm, idx_v, rows0, rows1,
                   sg0, sg1, ss0, ss1):
        wid = lax.axis_index("s") * _NC + lax.axis_index("c")
        base = wid * bpw
        pltpu.sync_copy(idx_hbm.at[pl.ds(base, bpw)], idx_v)
        rows = (rows0, rows1)
        gsem = (sg0, sg1)
        ssem = (ss0, ss1)
        gathers = [None] * nchunk
        scatters = [None] * nchunk
        for j in range(nchunk):
            p = j % 2
            if j >= 2:
                scatters[j - 2].wait()
            gathers[j] = pltpu.async_copy(
                emb_hbm.at[idx_v.at[pl.ds(j * chunk, chunk)]],
                rows[p], gsem[p])
            if j >= 1:
                gathers[j - 1].wait()
                scatters[j - 1] = pltpu.async_copy(
                    rows[1 - p], out_hbm.at[pl.ds(base + (j - 1) * chunk, chunk)],
                    ssem[1 - p])
        gathers[nchunk - 1].wait()
        scatters[nchunk - 1] = pltpu.async_copy(
            rows[(nchunk - 1) % 2],
            out_hbm.at[pl.ds(base + (nchunk - 1) * chunk, chunk)],
            ssem[(nchunk - 1) % 2])
        for j in range(max(0, nchunk - 2), nchunk):
            scatters[j].wait()

    return _sc_gather


_NSPLIT = 2


def kernel(image, emb):
    z_flat = image[0].reshape(NTOK, WORD)
    blocks_per = NBLOCKS // _NSPLIT
    rows_per = blocks_per * ROWS_PER_BLOCK
    gather = _make_sc_gather(rows_per)
    lat_parts, loss_parts = [], []
    for k in range(_NSPLIT):
        idx2d, loss_sum = _tc_distance_argmin(
            z_flat, emb, k * blocks_per, blocks_per)
        z_q = gather(emb, idx2d.reshape(rows_per))
        lat_parts.append(z_q.reshape(rows_per // (LATENT // WORD), LATENT))
        loss_parts.append(loss_sum[0, 0])
    latent = jnp.concatenate(lat_parts, axis=0)
    loss = (3.5 / float(NTOK * WORD)) * sum(loss_parts)
    return latent, latent, loss

# --- scband reference (transcript-rebuilt; emitter-appended) ---
"""Pipeline reference for scband-ae-35304631174228 (READ-ONLY COPY).

The authoritative reference and input builder live on the scoring server;
editing this copy changes nothing except your own understanding.
"""

import jax, jax.numpy as jnp
import numpy as np

LATENT = 1024
WORD = 64
NWORDS = 1024
B = 4608


def setup_inputs(seed: int = 0) -> dict:
    key = jax.random.key(seed)
    k1, k2 = jax.random.split(key)
    image = jax.random.normal(k1, (2, B, LATENT), dtype=jnp.float32)
    # nn.Embedding(nb_word, word_size) with uniform(-1/nb_word, 1/nb_word) init
    emb = jax.random.uniform(k2, (NWORDS, WORD), dtype=jnp.float32,
                             minval=-1.0 / NWORDS, maxval=1.0 / NWORDS)
    return {"image": image, "emb": emb}


def reference(image, emb):
    # identity encoder: latent = image; quantizer expects (z_mean, z_log_var) stacked on dim 0
    z_mean = image[0]
    # z_log_var = image[1]  # unused in normal_vq path
    input_shape = z_mean.shape
    z = z_mean.reshape(-1, LATENT // WORD, WORD)
    z_flat = z.reshape(-1, WORD)
    distances = (jnp.sum(z_flat ** 2, axis=1, keepdims=True)
                 + jnp.sum(emb ** 2, axis=1)
                 - 2.0 * (z_flat @ emb.T))
    min_encoding_indices = jnp.argmin(distances, axis=1)
    z_q = jnp.take(emb, min_encoding_indices, axis=0).reshape(z.shape)
    loss = (jnp.mean((jax.lax.stop_gradient(z_q) - z) ** 2)
            + 2.5 * jnp.mean((z_q - jax.lax.stop_gradient(z)) ** 2))
    # straight-through estimator
    z_q_st = z + jax.lax.stop_gradient(z_q - z)
    latent = z_q_st.reshape(input_shape)
    decoded_img = latent  # identity decoder
    return (latent, decoded_img, loss)

if __name__ == "__main__":
    import jax
    _d = setup_inputs()
    print(jax.jit(kernel)(*tuple(_d.values())))

</pallas_src>

<mosaic_0001>
#map = affine_map<(d0, d1) -> (0, 0)>
#map1 = affine_map<(d0, d1) -> (0)>
module attributes {stable_mosaic.version = 14 : i64} {
  func.func @_sc_gather(%arg0: i32, %arg1: i32, %arg2: memref<1024x64xf32, #tpu.memory_space<hbm>>, %arg3: memref<36864xi32, #tpu.memory_space<hbm>>, %arg4: memref<36864x64xf32, #tpu.memory_space<hbm>>, %arg5: memref<1152xi32, #tpu.memory_space<vmem>>, %arg6: memref<576x64xf32, #tpu.memory_space<vmem>>, %arg7: memref<576x64xf32, #tpu.memory_space<vmem>>, %arg8: memref<!tpu.dma_semaphore, #tpu.memory_space<semaphore_mem>>, %arg9: memref<!tpu.dma_semaphore, #tpu.memory_space<semaphore_mem>>, %arg10: memref<!tpu.dma_semaphore, #tpu.memory_space<semaphore_mem>>, %arg11: memref<!tpu.dma_semaphore, #tpu.memory_space<semaphore_mem>>) attributes {dimension_semantics = [#tpu.dimension_semantics<core_parallel>, #tpu.dimension_semantics<subcore_parallel>], iteration_bounds = array<i64: 2, 16>, scalar_prefetch = 0 : i64, scratch_operands = 7 : i64, tpu.core_type = #tpu.core_type<sc_vector_subcore>, window_params = [{transform_indices = #map}, {transform_indices = #map1}, {transform_indices = #map}]} {
    %mul3A = arith.constant 2 : i32
    %mul3A_0 = arith.muli %arg1, %mul3A : i32
    %add3A = arith.addi %mul3A_0, %arg0 : i32
    %mul3A_1 = arith.constant 1152 : i32
    %mul3A_2 = arith.muli %add3A, %mul3A_1 : i32
    "tpu.region"() ({
      %run_scoped3A = tpu.sem_alloc : memref<!tpu.dma_semaphore, #tpu.memory_space<semaphore_mem>>
      %dma_start3A_41 = tpu.memref_slice %arg3[%mul3A_2] : memref<36864xi32, #tpu.memory_space<hbm>> -> memref<1152xi32, #tpu.memory_space<hbm>>
      %dma_start3A_42 = tpu.memref_slice %arg3[%mul3A_2] : memref<36864xi32, #tpu.memory_space<hbm>> -> memref<1152xi32, #tpu.memory_space<hbm>>
      tpu.enqueue_dma source(%dma_start3A_42 : memref<1152xi32, #tpu.memory_space<hbm>>) target(%arg5 : memref<1152xi32, #tpu.memory_space<vmem>>) target_semaphore(%run_scoped3A : memref<!tpu.dma_semaphore, #tpu.memory_space<semaphore_mem>>)
      %dma_wait3A_43 = tpu.memref_slice %arg3[%mul3A_2] : memref<36864xi32, #tpu.memory_space<hbm>> -> memref<1152xi32, #tpu.memory_space<hbm>>
      %dma_wait3A_44 = tpu.memref_slice %arg3[%mul3A_2] : memref<36864xi32, #tpu.memory_space<hbm>> -> memref<1152xi32, #tpu.memory_space<hbm>>
      tpu.wait_dma2 semaphore(%run_scoped3A : memref<!tpu.dma_semaphore, #tpu.memory_space<semaphore_mem>>) src(%dma_wait3A_44 : memref<1152xi32, #tpu.memory_space<hbm>>) dst(%arg5 : memref<1152xi32, #tpu.memory_space<vmem>>)
      tpu.yield
    }) : () -> ()
    %dma_start3A = arith.constant 0 : i32
    %dma_start3A_3 = tpu.memref_slice %arg5[%dma_start3A] : memref<1152xi32, #tpu.memory_space<vmem>> -> memref<576xi32, #tpu.memory_space<vmem>>
    %dma_start3A_4 = arith.constant 0 : i32
    %dma_start3A_5 = arith.constant 0 : i32
    %dma_start3A_6 = tpu.memref_slice %arg2[%dma_start3A_4, %dma_start3A_5] : memref<1024x64xf32, #tpu.memory_space<hbm>> -> memref<1024x64xf32, #tpu.memory_space<hbm>>
    tpu.enqueue_indirect_dma source(%dma_start3A_6 : memref<1024x64xf32, #tpu.memory_space<hbm>>) target(%arg6 : memref<576x64xf32, #tpu.memory_space<vmem>>) offsets(%dma_start3A_3 : memref<576xi32, #tpu.memory_space<vmem>>) semaphore(%arg8 : memref<!tpu.dma_semaphore, #tpu.memory_space<semaphore_mem>>)
    %dma_start3A_7 = arith.constant 576 : i32
    %dma_start3A_8 = tpu.memref_slice %arg5[%dma_start3A_7] : memref<1152xi32, #tpu.memory_space<vmem>> -> memref<576xi32, #tpu.memory_space<vmem>>
    %dma_start3A_9 = arith.constant 0 : i32
    %dma_start3A_10 = arith.constant 0 : i32
    %dma_start3A_11 = tpu.memref_slice %arg2[%dma_start3A_9, %dma_start3A_10] : memref<1024x64xf32, #tpu.memory_space<hbm>> -> memref<1024x64xf32, #tpu.memory_space<hbm>>
    tpu.enqueue_indirect_dma source(%dma_start3A_11 : memref<1024x64xf32, #tpu.memory_space<hbm>>) target(%arg7 : memref<576x64xf32, #tpu.memory_space<vmem>>) offsets(%dma_start3A_8 : memref<576xi32, #tpu.memory_space<vmem>>) semaphore(%arg9 : memref<!tpu.dma_semaphore, #tpu.memory_space<semaphore_mem>>)
    %dma_wait3A = arith.constant 0 : i32
    %dma_wait3A_12 = tpu.memref_slice %arg5[%dma_wait3A] : memref<1152xi32, #tpu.memory_space<vmem>> -> memref<576xi32, #tpu.memory_space<vmem>>
    %dma_wait3A_13 = arith.constant 0 : i32
    %dma_wait3A_14 = arith.constant 0 : i32
    %dma_wait3A_15 = tpu.memref_slice %arg2[%dma_wait3A_13, %dma_wait3A_14] : memref<1024x64xf32, #tpu.memory_space<hbm>> -> memref<1024x64xf32, #tpu.memory_space<hbm>>
    tpu.wait_indirect_dma semaphore(%arg8 : memref<!tpu.dma_semaphore, #tpu.memory_space<semaphore_mem>>) src(%dma_wait3A_15 : memref<1024x64xf32, #tpu.memory_space<hbm>>) dst(%arg6 : memref<576x64xf32, #tpu.memory_space<vmem>>)
    %add3A_16 = arith.constant 0 : i32
    %add3A_17 = arith.addi %mul3A_2, %add3A_16 : i32
    %dma_start3A_18 = arith.constant 0 : i32
    %dma_start3A_19 = tpu.memref_slice %arg4[%add3A_17, %dma_start3A_18] : memref<36864x64xf32, #tpu.memory_space<hbm>> -> memref<576x64xf32, #tpu.memory_space<hbm>>
    %dma_start3A_20 = arith.constant 0 : i32
    %dma_start3A_21 = tpu.memref_slice %arg4[%add3A_17, %dma_start3A_20] : memref<36864x64xf32, #tpu.memory_space<hbm>> -> memref<576x64xf32, #tpu.memory_space<hbm>>
    tpu.enqueue_dma source(%arg6 : memref<576x64xf32, #tpu.memory_space<vmem>>) target(%dma_start3A_21 : memref<576x64xf32, #tpu.memory_space<hbm>>) target_semaphore(%arg10 : memref<!tpu.dma_semaphore, #tpu.memory_space<semaphore_mem>>)
    %dma_wait3A_22 = arith.constant 576 : i32
    %dma_wait3A_23 = tpu.memref_slice %arg5[%dma_wait3A_22] : memref<1152xi32, #tpu.memory_space<vmem>> -> memref<576xi32, #tpu.memory_space<vmem>>
    %dma_wait3A_24 = arith.constant 0 : i32
    %dma_wait3A_25 = arith.constant 0 : i32
    %dma_wait3A_26 = tpu.memref_slice %arg2[%dma_wait3A_24, %dma_wait3A_25] : memref<1024x64xf32, #tpu.memory_space<hbm>> -> memref<1024x64xf32, #tpu.memory_space<hbm>>
    tpu.wait_indirect_dma semaphore(%arg9 : memref<!tpu.dma_semaphore, #tpu.memory_space<semaphore_mem>>) src(%dma_wait3A_26 : memref<1024x64xf32, #tpu.memory_space<hbm>>) dst(%arg7 : memref<576x64xf32, #tpu.memory_space<vmem>>)
    %add3A_27 = arith.constant 576 : i32
    %add3A_28 = arith.addi %mul3A_2, %add3A_27 : i32
    %dma_start3A_29 = arith.constant 0 : i32
    %dma_start3A_30 = tpu.memref_slice %arg4[%add3A_28, %dma_start3A_29] : memref<36864x64xf32, #tpu.memory_space<hbm>> -> memref<576x64xf32, #tpu.memory_space<hbm>>
    %dma_start3A_31 = arith.constant 0 : i32
    %dma_start3A_32 = tpu.memref_slice %arg4[%add3A_28, %dma_start3A_31] : memref<36864x64xf32, #tpu.memory_space<hbm>> -> memref<576x64xf32, #tpu.memory_space<hbm>>
    tpu.enqueue_dma source(%arg7 : memref<576x64xf32, #tpu.memory_space<vmem>>) target(%dma_start3A_32 : memref<576x64xf32, #tpu.memory_space<hbm>>) target_semaphore(%arg11 : memref<!tpu.dma_semaphore, #tpu.memory_space<semaphore_mem>>)
    %dma_wait3A_33 = arith.constant 0 : i32
    %dma_wait3A_34 = tpu.memref_slice %arg4[%add3A_17, %dma_wait3A_33] : memref<36864x64xf32, #tpu.memory_space<hbm>> -> memref<576x64xf32, #tpu.memory_space<hbm>>
    %dma_wait3A_35 = arith.constant 0 : i32
    %dma_wait3A_36 = tpu.memref_slice %arg4[%add3A_17, %dma_wait3A_35] : memref<36864x64xf32, #tpu.memory_space<hbm>> -> memref<576x64xf32, #tpu.memory_space<hbm>>
    tpu.wait_dma2 semaphore(%arg10 : memref<!tpu.dma_semaphore, #tpu.memory_space<semaphore_mem>>) src(%arg6 : memref<576x64xf32, #tpu.memory_space<vmem>>) dst(%dma_wait3A_36 : memref<576x64xf32, #tpu.memory_space<hbm>>)
    %dma_wait3A_37 = arith.constant 0 : i32
    %dma_wait3A_38 = tpu.memref_slice %arg4[%add3A_28, %dma_wait3A_37] : memref<36864x64xf32, #tpu.memory_space<hbm>> -> memref<576x64xf32, #tpu.memory_space<hbm>>
    %dma_wait3A_39 = arith.constant 0 : i32
    %dma_wait3A_40 = tpu.memref_slice %arg4[%add3A_28, %dma_wait3A_39] : memref<36864x64xf32, #tpu.memory_space<hbm>> -> memref<576x64xf32, #tpu.memory_space<hbm>>
    tpu.wait_dma2 semaphore(%arg11 : memref<!tpu.dma_semaphore, #tpu.memory_space<semaphore_mem>>) src(%arg7 : memref<576x64xf32, #tpu.memory_space<vmem>>) dst(%dma_wait3A_40 : memref<576x64xf32, #tpu.memory_space<hbm>>)
    return
  }
}

#map = affine_map<(d0, d1) -> (0, 0)>
#map1 = affine_map<(d0, d1) -> (0)>
module attributes {stable_mosaic.version = 14 : i64} {
  func.func @_sc_gather(%arg0: i32, %arg1: i32, %arg2: memref<1024x64xf32, #tpu.memory_space<hbm>>, %arg3: memref<36864xi32, #tpu.memory_space<hbm>>, %arg4: memref<36864x64xf32, #tpu.memory_space<hbm>>, %arg5: memref<1152xi32, #tpu.memory_space<vmem>>, %arg6: memref<576x64xf32, #tpu.memory_space<vmem>>, %arg7: memref<576x64xf32, #tpu.memory_space<vmem>>, %arg8: memref<!tpu.dma_semaphore, #tpu.memory_space<semaphore_mem>>, %arg9: memref<!tpu.dma_semaphore, #tpu.memory_space<semaphore_mem>>, %arg10: memref<!tpu.dma_semaphore, #tpu.memory_space<semaphore_mem>>, %arg11: memref<!tpu.dma_semaphore, #tpu.memory_space<semaphore_mem>>) attributes {dimension_semantics = [#tpu.dimension_semantics<core_parallel>, #tpu.dimension_semantics<subcore_parallel>], iteration_bounds = array<i64: 2, 16>, scalar_prefetch = 0 : i64, scratch_operands = 7 : i64, tpu.core_type = #tpu.core_type<sc_vector_subcore>, window_params = [{transform_indices = #map}, {transform_indices = #map1}, {transform_indices = #map}]} {
    %mul3A = arith.constant 2 : i32
    %mul3A_0 = arith.muli %arg1, %mul3A : i32
    %add3A = arith.addi %mul3A_0, %arg0 : i32
    %mul3A_1 = arith.constant 1152 : i32
    %mul3A_2 = arith.muli %add3A, %mul3A_1 : i32
    "tpu.region"() ({
      %run_scoped3A = tpu.sem_alloc : memref<!tpu.dma_semaphore, #tpu.memory_space<semaphore_mem>>
      %dma_start3A_41 = tpu.memref_slice %arg3[%mul3A_2] : memref<36864xi32, #tpu.memory_space<hbm>> -> memref<1152xi32, #tpu.memory_space<hbm>>
      %dma_start3A_42 = tpu.memref_slice %arg3[%mul3A_2] : memref<36864xi32, #tpu.memory_space<hbm>> -> memref<1152xi32, #tpu.memory_space<hbm>>
      tpu.enqueue_dma source(%dma_start3A_42 : memref<1152xi32, #tpu.memory_space<hbm>>) target(%arg5 : memref<1152xi32, #tpu.memory_space<vmem>>) target_semaphore(%run_scoped3A : memref<!tpu.dma_semaphore, #tpu.memory_space<semaphore_mem>>)
      %dma_wait3A_43 = tpu.memref_slice %arg3[%mul3A_2] : memref<36864xi32, #tpu.memory_space<hbm>> -> memref<1152xi32, #tpu.memory_space<hbm>>
      %dma_wait3A_44 = tpu.memref_slice %arg3[%mul3A_2] : memref<36864xi32, #tpu.memory_space<hbm>> -> memref<1152xi32, #tpu.memory_space<hbm>>
      tpu.wait_dma2 semaphore(%run_scoped3A : memref<!tpu.dma_semaphore, #tpu.memory_space<semaphore_mem>>) src(%dma_wait3A_44 : memref<1152xi32, #tpu.memory_space<hbm>>) dst(%arg5 : memref<1152xi32, #tpu.memory_space<vmem>>)
      tpu.yield
    }) : () -> ()
    %dma_start3A = arith.constant 0 : i32
    %dma_start3A_3 = tpu.memref_slice %arg5[%dma_start3A] : memref<1152xi32, #tpu.memory_space<vmem>> -> memref<576xi32, #tpu.memory_space<vmem>>
    %dma_start3A_4 = arith.constant 0 : i32
    %dma_start3A_5 = arith.constant 0 : i32
    %dma_start3A_6 = tpu.memref_slice %arg2[%dma_start3A_4, %dma_start3A_5] : memref<1024x64xf32, #tpu.memory_space<hbm>> -> memref<1024x64xf32, #tpu.memory_space<hbm>>
    tpu.enqueue_indirect_dma source(%dma_start3A_6 : memref<1024x64xf32, #tpu.memory_space<hbm>>) target(%arg6 : memref<576x64xf32, #tpu.memory_space<vmem>>) offsets(%dma_start3A_3 : memref<576xi32, #tpu.memory_space<vmem>>) semaphore(%arg8 : memref<!tpu.dma_semaphore, #tpu.memory_space<semaphore_mem>>)
    %dma_start3A_7 = arith.constant 576 : i32
    %dma_start3A_8 = tpu.memref_slice %arg5[%dma_start3A_7] : memref<1152xi32, #tpu.memory_space<vmem>> -> memref<576xi32, #tpu.memory_space<vmem>>
    %dma_start3A_9 = arith.constant 0 : i32
    %dma_start3A_10 = arith.constant 0 : i32
    %dma_start3A_11 = tpu.memref_slice %arg2[%dma_start3A_9, %dma_start3A_10] : memref<1024x64xf32, #tpu.memory_space<hbm>> -> memref<1024x64xf32, #tpu.memory_space<hbm>>
    tpu.enqueue_indirect_dma source(%dma_start3A_11 : memref<1024x64xf32, #tpu.memory_space<hbm>>) target(%arg7 : memref<576x64xf32, #tpu.memory_space<vmem>>) offsets(%dma_start3A_8 : memref<576xi32, #tpu.memory_space<vmem>>) semaphore(%arg9 : memref<!tpu.dma_semaphore, #tpu.memory_space<semaphore_mem>>)
    %dma_wait3A = arith.constant 0 : i32
    %dma_wait3A_12 = tpu.memref_slice %arg5[%dma_wait3A] : memref<1152xi32, #tpu.memory_space<vmem>> -> memref<576xi32, #tpu.memory_space<vmem>>
    %dma_wait3A_13 = arith.constant 0 : i32
    %dma_wait3A_14 = arith.constant 0 : i32
    %dma_wait3A_15 = tpu.memref_slice %arg2[%dma_wait3A_13, %dma_wait3A_14] : memref<1024x64xf32, #tpu.memory_space<hbm>> -> memref<1024x64xf32, #tpu.memory_space<hbm>>
    tpu.wait_indirect_dma semaphore(%arg8 : memref<!tpu.dma_semaphore, #tpu.memory_space<semaphore_mem>>) src(%dma_wait3A_15 : memref<1024x64xf32, #tpu.memory_space<hbm>>) dst(%arg6 : memref<576x64xf32, #tpu.memory_space<vmem>>)
    %add3A_16 = arith.constant 0 : i32
    %add3A_17 = arith.addi %mul3A_2, %add3A_16 : i32
    %dma_start3A_18 = arith.constant 0 : i32
    %dma_start3A_19 = tpu.memref_slice %arg4[%add3A_17, %dma_start3A_18] : memref<36864x64xf32, #tpu.memory_space<hbm>> -> memref<576x64xf32, #tpu.memory_space<hbm>>
    %dma_start3A_20 = arith.constant 0 : i32
    %dma_start3A_21 = tpu.memref_slice %arg4[%add3A_17, %dma_start3A_20] : memref<36864x64xf32, #tpu.memory_space<hbm>> -> memref<576x64xf32, #tpu.memory_space<hbm>>
    tpu.enqueue_dma source(%arg6 : memref<576x64xf32, #tpu.memory_space<vmem>>) target(%dma_start3A_21 : memref<576x64xf32, #tpu.memory_space<hbm>>) target_semaphore(%arg10 : memref<!tpu.dma_semaphore, #tpu.memory_space<semaphore_mem>>)
    %dma_wait3A_22 = arith.constant 576 : i32
    %dma_wait3A_23 = tpu.memref_slice %arg5[%dma_wait3A_22] : memref<1152xi32, #tpu.memory_space<vmem>> -> memref<576xi32, #tpu.memory_space<vmem>>
    %dma_wait3A_24 = arith.constant 0 : i32
    %dma_wait3A_25 = arith.constant 0 : i32
    %dma_wait3A_26 = tpu.memref_slice %arg2[%dma_wait3A_24, %dma_wait3A_25] : memref<1024x64xf32, #tpu.memory_space<hbm>> -> memref<1024x64xf32, #tpu.memory_space<hbm>>
    tpu.wait_indirect_dma semaphore(%arg9 : memref<!tpu.dma_semaphore, #tpu.memory_space<semaphore_mem>>) src(%dma_wait3A_26 : memref<1024x64xf32, #tpu.memory_space<hbm>>) dst(%arg7 : memref<576x64xf32, #tpu.memory_space<vmem>>)
    %add3A_27 = arith.constant 576 : i32
    %add3A_28 = arith.addi %mul3A_2, %add3A_27 : i32
    %dma_start3A_29 = arith.constant 0 : i32
    %dma_start3A_30 = tpu.memref_slice %arg4[%add3A_28, %dma_start3A_29] : memref<36864x64xf32, #tpu.memory_space<hbm>> -> memref<576x64xf32, #tpu.memory_space<hbm>>
    %dma_start3A_31 = arith.constant 0 : i32
    %dma_start3A_32 = tpu.memref_slice %arg4[%add3A_28, %dma_start3A_31] : memref<36864x64xf32, #tpu.memory_space<hbm>> -> memref<576x64xf32, #tpu.memory_space<hbm>>
    tpu.enqueue_dma source(%arg7 : memref<576x64xf32, #tpu.memory_space<vmem>>) target(%dma_start3A_32 : memref<576x64xf32, #tpu.memory_space<hbm>>) target_semaphore(%arg11 : memref<!tpu.dma_semaphore, #tpu.memory_space<semaphore_mem>>)
    %dma_wait3A_33 = arith.constant 0 : i32
    %dma_wait3A_34 = tpu.memref_slice %arg4[%add3A_17, %dma_wait3A_33] : memref<36864x64xf32, #tpu.memory_space<hbm>> -> memref<576x64xf32, #tpu.memory_space<hbm>>
    %dma_wait3A_35 = arith.constant 0 : i32
    %dma_wait3A_36 = tpu.memref_slice %arg4[%add3A_17, %dma_wait3A_35] : memref<36864x64xf32, #tpu.memory_space<hbm>> -> memref<576x64xf32, #tpu.memory_space<hbm>>
    tpu.wait_dma2 semaphore(%arg10 : memref<!tpu.dma_semaphore, #tpu.memory_space<semaphore_mem>>) src(%arg6 : memref<576x64xf32, #tpu.memory_space<vmem>>) dst(%dma_wait3A_36 : memref<576x64xf32, #tpu.memory_space<hbm>>)
    %dma_wait3A_37 = arith.constant 0 : i32
    %dma_wait3A_38 = tpu.memref_slice %arg4[%add3A_28, %dma_wait3A_37] : memref<36864x64xf32, #tpu.memory_space<hbm>> -> memref<576x64xf32, #tpu.memory_space<hbm>>
    %dma_wait3A_39 = arith.constant 0 : i32
    %dma_wait3A_40 = tpu.memref_slice %arg4[%add3A_28, %dma_wait3A_39] : memref<36864x64xf32, #tpu.memory_space<hbm>> -> memref<576x64xf32, #tpu.memory_space<hbm>>
    tpu.wait_dma2 semaphore(%arg11 : memref<!tpu.dma_semaphore, #tpu.memory_space<semaphore_mem>>) src(%arg7 : memref<576x64xf32, #tpu.memory_space<vmem>>) dst(%dma_wait3A_40 : memref<576x64xf32, #tpu.memory_space<hbm>>)
    return
  }
}

module attributes {stable_mosaic.version = 14 : i64} {
  func.func @_distance_argmin_body(%arg0: i32, %arg1: memref<6144x64xf32, #tpu.memory_space<vmem>>, %arg2: memref<1024x64xf32, #tpu.memory_space<vmem>>, %arg3: memref<1x1024xf32, #tpu.memory_space<vmem>>, %arg4: memref<48x128xi32, #tpu.memory_space<vmem>>, %arg5: memref<1x1xf32, #tpu.memory_space<smem>>) attributes {dimension_semantics = [#tpu.dimension_semantics<arbitrary>], iteration_bounds = array<i64: 6>, scalar_prefetch = 0 : i64, scratch_operands = 0 : i64, tpu.core_type = #tpu.core_type<tc>, window_params = [{transform_indices = @transform_0, window_bounds = array<i64: 6144, 64>}, {pipeline_mode = #tpu.pipeline_mode<synchronous>, transform_indices = @transform_1, window_bounds = array<i64: 1024, 64>}, {pipeline_mode = #tpu.pipeline_mode<synchronous>, transform_indices = @transform_2, window_bounds = array<i64: 1, 1024>}, {transform_indices = @transform_3, window_bounds = array<i64: 48, 128>}, {transform_indices = @transform_4, window_bounds = array<i64: 1, 1>}]} {
    %get3A = arith.constant 0 : index
    %get3A_0 = arith.constant 0 : index
    %get3A_1 = vector.load %arg1[%get3A, %get3A_0] : memref<6144x64xf32, #tpu.memory_space<vmem>>, vector<6144x64xf32>
    %get3A_2 = arith.constant 0 : index
    %get3A_3 = arith.constant 0 : index
    %get3A_4 = vector.load %arg2[%get3A_2, %get3A_3] : memref<1024x64xf32, #tpu.memory_space<vmem>>, vector<1024x64xf32>
    %mul3A = arith.mulf %get3A_1, %get3A_1 : vector<6144x64xf32>
    %reduce_sum3A = arith.constant dense<0.000000e+00> : vector<6144xf32>
    %reduce_sum3A_5 = vector.multi_reduction <add>, %mul3A, %reduce_sum3A [1] : vector<6144x64xf32> to vector<6144xf32>
    %broadcast_in_dim3A = vector.shape_cast %reduce_sum3A_5 : vector<6144xf32> to vector<6144x1xf32>
    %mul3A_6 = arith.mulf %get3A_4, %get3A_4 : vector<1024x64xf32>
    %reduce_sum3A_7 = arith.constant dense<0.000000e+00> : vector<1024xf32>
    %reduce_sum3A_8 = vector.multi_reduction <add>, %mul3A_6, %reduce_sum3A_7 [1] : vector<1024x64xf32> to vector<1024xf32>
    %add3A = arith.addf %get3A_1, %get3A_1 : vector<6144x64xf32>
    %dot_general3A = arith.constant dense<0.000000e+00> : vector<6144x1024xf32>
    %dot_general3A_9 = tpu.matmul %add3A, %get3A_4, %dot_general3A {dimension_numbers = #tpu.dot_dimension_numbers<[1], [1], [0], [0], [0, 0, 1, 0], [], []>, transpose_lhs_hint = false} : vector<6144x64xf32>, vector<1024x64xf32>, vector<6144x1024xf32> -> vector<6144x1024xf32>
    %broadcast_in_dim3A_10 = vector.shape_cast %reduce_sum3A_8 : vector<1024xf32> to vector<1x1024xf32>
    %add3A_11 = vector.broadcast %broadcast_in_dim3A : vector<6144x1xf32> to vector<6144x1024xf32>
    %add3A_12 = vector.broadcast %broadcast_in_dim3A_10 : vector<1x1024xf32> to vector<6144x1024xf32>
    %add3A_13 = arith.addf %add3A_11, %add3A_12 : vector<6144x1024xf32>
    %sub3A = arith.subf %add3A_13, %dot_general3A_9 : vector<6144x1024xf32>
    %reduce_min3A = arith.constant dense<0x7F800000> : vector<6144xf32>
    %reduce_min3A_14 = vector.multi_reduction <minimumf>, %sub3A, %reduce_min3A [1] : vector<6144x1024xf32> to vector<6144xf32>
    %broadcast_in_dim3A_15 = vector.shape_cast %reduce_min3A_14 : vector<6144xf32> to vector<6144x1xf32>
    %eq3A = vector.broadcast %broadcast_in_dim3A_15 : vector<6144x1xf32> to vector<6144x1024xf32>
    %eq3A_16 = arith.cmpf oeq, %sub3A, %eq3A : vector<6144x1024xf32>
    %get3A_17 = arith.constant 0 : index
    %get3A_18 = arith.constant 0 : index
    %get3A_19 = vector.load %arg3[%get3A_17, %get3A_18] : memref<1x1024xf32, #tpu.memory_space<vmem>>, vector<1x1024xf32>
    %jit3A = arith.constant 6.553600e+04 : f32
    %broadcast_in_dim3A_20 = vector.shape_cast %get3A_19 : vector<1x1024xf32> to vector<1x1024xf32>
    %broadcast_in_dim3A_21 = vector.broadcast %broadcast_in_dim3A_20 : vector<1x1024xf32> to vector<6144x1024xf32>
    %broadcast_in_dim3A_22 = vector.broadcast %jit3A : f32 to vector<6144x1024xf32>
    %select_n3A = arith.select %eq3A_16, %broadcast_in_dim3A_21, %broadcast_in_dim3A_22 : vector<6144x1024xi1>, vector<6144x1024xf32>
    %reduce_min3A_23 = arith.constant dense<0x7F800000> : vector<6144xf32>
    %reduce_min3A_24 = vector.multi_reduction <minimumf>, %select_n3A, %reduce_min3A_23 [1] : vector<6144x1024xf32> to vector<6144xf32>
    %convert_element_type3A = arith.fptosi %reduce_min3A_24 : vector<6144xf32> to vector<6144xi32>
    %reshape3A = vector.shape_cast %convert_element_type3A : vector<6144xi32> to vector<48x128xi32>
    %swap3A = arith.constant 0 : index
    %swap3A_25 = arith.constant 0 : index
    %swap3A_26 = vector.load %arg4[%swap3A, %swap3A_25] : memref<48x128xi32, #tpu.memory_space<vmem>>, vector<48x128xi32>
    tpu.vector_store %arg4[%swap3A, %swap3A_25], %reshape3A {strides = array<i32>} : memref<48x128xi32, #tpu.memory_space<vmem>>, vector<48x128xi32>,
    %eq3A_27 = arith.constant 0 : i32
    %eq3A_28 = arith.cmpi eq, %arg0, %eq3A_27 : i32
    %convert_element_type3A_29 = arith.extui %eq3A_28 : i1 to i32
    %cond3A = arith.constant 0 : i32
    %cond3A_30 = arith.cmpi ne, %convert_element_type3A_29, %cond3A : i32
    scf.if %cond3A_30 {
      %swap3A_43 = arith.constant 0.000000e+00 : f32
      %swap3A_44 = arith.constant 0 : index
      %swap3A_45 = arith.constant 0 : index
      %swap3A_46 = memref.load %arg5[%swap3A_44, %swap3A_45] : memref<1x1xf32, #tpu.memory_space<smem>>
      memref.store %swap3A_43, %arg5[%swap3A_44, %swap3A_45] : memref<1x1xf32, #tpu.memory_space<smem>>
    } else {
    }
    %get3A_31 = arith.constant 0 : index
    %get3A_32 = arith.constant 0 : index
    %get3A_33 = memref.load %arg5[%get3A_31, %get3A_32] : memref<1x1xf32, #tpu.memory_space<smem>>
    %reduce_sum3A_34 = vector.shape_cast %reduce_min3A_14 : vector<6144xf32> to vector<1x6144xf32>
    %reduce_sum3A_35 = arith.constant dense<0.000000e+00> : vector<1xf32>
    %reduce_sum3A_36 = vector.multi_reduction <add>, %reduce_sum3A_34, %reduce_sum3A_35 [1] : vector<1x6144xf32> to vector<1xf32>
    %reduce_sum3A_37 = vector.shape_cast %reduce_sum3A_36 : vector<1xf32> to vector<1x1xf32>
    %reduce_sum3A_38 = vector.extract %reduce_sum3A_37[0, 0] : f32 from vector<1x1xf32>
    %add3A_39 = arith.addf %get3A_33, %reduce_sum3A_38 : f32
    %swap3A_40 = arith.constant 0 : index
    %swap3A_41 = arith.constant 0 : index
    %swap3A_42 = memref.load %arg5[%swap3A_40, %swap3A_41] : memref<1x1xf32, #tpu.memory_space<smem>>
    memref.store %add3A_39, %arg5[%swap3A_40, %swap3A_41] : memref<1x1xf32, #tpu.memory_space<smem>>
    return
  }
  func.func @transform_0(%arg0: i32) -> (i32, i32) {
    %add3A = arith.constant 0 : i32
    %add3A_0 = arith.addi %arg0, %add3A : i32
    %c0_i32 = arith.constant 0 : i32
    %c0_i32_1 = arith.constant 0 : i32
    return %add3A_0, %c0_i32 : i32, i32
  }
  func.func @transform_1(%arg0: i32) -> (i32, i32) {
    %c0_i32 = arith.constant 0 : i32
    %c0_i32_0 = arith.constant 0 : i32
    %c0_i32_1 = arith.constant 0 : i32
    return %c0_i32, %c0_i32_0 : i32, i32
  }
  func.func @transform_2(%arg0: i32) -> (i32, i32) {
    %c0_i32 = arith.constant 0 : i32
    %c0_i32_0 = arith.constant 0 : i32
    %c0_i32_1 = arith.constant 0 : i32
    return %c0_i32, %c0_i32_0 : i32, i32
  }
  func.func @transform_3(%arg0: i32) -> (i32, i32) {
    %c0_i32 = arith.constant 0 : i32
    %c0_i32_0 = arith.constant 0 : i32
    return %arg0, %c0_i32 : i32, i32
  }
  func.func @transform_4(%arg0: i32) -> (i32, i32) {
    %c0_i32 = arith.constant 0 : i32
    %c0_i32_0 = arith.constant 0 : i32
    %c0_i32_1 = arith.constant 0 : i32
    return %c0_i32, %c0_i32_0 : i32, i32
  }
}

module attributes {stable_mosaic.version = 14 : i64} {
  func.func @_distance_argmin_body(%arg0: i32, %arg1: memref<6144x64xf32, #tpu.memory_space<vmem>>, %arg2: memref<1024x64xf32, #tpu.memory_space<vmem>>, %arg3: memref<1x1024xf32, #tpu.memory_space<vmem>>, %arg4: memref<48x128xi32, #tpu.memory_space<vmem>>, %arg5: memref<1x1xf32, #tpu.memory_space<smem>>) attributes {dimension_semantics = [#tpu.dimension_semantics<arbitrary>], iteration_bounds = array<i64: 6>, scalar_prefetch = 0 : i64, scratch_operands = 0 : i64, tpu.core_type = #tpu.core_type<tc>, window_params = [{transform_indices = @transform_0, window_bounds = array<i64: 6144, 64>}, {pipeline_mode = #tpu.pipeline_mode<synchronous>, transform_indices = @transform_1, window_bounds = array<i64: 1024, 64>}, {pipeline_mode = #tpu.pipeline_mode<synchronous>, transform_indices = @transform_2, window_bounds = array<i64: 1, 1024>}, {transform_indices = @transform_3, window_bounds = array<i64: 48, 128>}, {transform_indices = @transform_4, window_bounds = array<i64: 1, 1>}]} {
    %get3A = arith.constant 0 : index
    %get3A_0 = arith.constant 0 : index
    %get3A_1 = vector.load %arg1[%get3A, %get3A_0] : memref<6144x64xf32, #tpu.memory_space<vmem>>, vector<6144x64xf32>
    %get3A_2 = arith.constant 0 : index
    %get3A_3 = arith.constant 0 : index
    %get3A_4 = vector.load %arg2[%get3A_2, %get3A_3] : memref<1024x64xf32, #tpu.memory_space<vmem>>, vector<1024x64xf32>
    %mul3A = arith.mulf %get3A_1, %get3A_1 : vector<6144x64xf32>
    %reduce_sum3A = arith.constant dense<0.000000e+00> : vector<6144xf32>
    %reduce_sum3A_5 = vector.multi_reduction <add>, %mul3A, %reduce_sum3A [1] : vector<6144x64xf32> to vector<6144xf32>
    %broadcast_in_dim3A = vector.shape_cast %reduce_sum3A_5 : vector<6144xf32> to vector<6144x1xf32>
    %mul3A_6 = arith.mulf %get3A_4, %get3A_4 : vector<1024x64xf32>
    %reduce_sum3A_7 = arith.constant dense<0.000000e+00> : vector<1024xf32>
    %reduce_sum3A_8 = vector.multi_reduction <add>, %mul3A_6, %reduce_sum3A_7 [1] : vector<1024x64xf32> to vector<1024xf32>
    %add3A = arith.addf %get3A_1, %get3A_1 : vector<6144x64xf32>
    %dot_general3A = arith.constant dense<0.000000e+00> : vector<6144x1024xf32>
    %dot_general3A_9 = tpu.matmul %add3A, %get3A_4, %dot_general3A {dimension_numbers = #tpu.dot_dimension_numbers<[1], [1], [0], [0], [0, 0, 1, 0], [], []>, transpose_lhs_hint = false} : vector<6144x64xf32>, vector<1024x64xf32>, vector<6144x1024xf32> -> vector<6144x1024xf32>
    %broadcast_in_dim3A_10 = vector.shape_cast %reduce_sum3A_8 : vector<1024xf32> to vector<1x1024xf32>
    %add3A_11 = vector.broadcast %broadcast_in_dim3A : vector<6144x1xf32> to vector<6144x1024xf32>
    %add3A_12 = vector.broadcast %broadcast_in_dim3A_10 : vector<1x1024xf32> to vector<6144x1024xf32>
    %add3A_13 = arith.addf %add3A_11, %add3A_12 : vector<6144x1024xf32>
    %sub3A = arith.subf %add3A_13, %dot_general3A_9 : vector<6144x1024xf32>
    %reduce_min3A = arith.constant dense<0x7F800000> : vector<6144xf32>
    %reduce_min3A_14 = vector.multi_reduction <minimumf>, %sub3A, %reduce_min3A [1] : vector<6144x1024xf32> to vector<6144xf32>
    %broadcast_in_dim3A_15 = vector.shape_cast %reduce_min3A_14 : vector<6144xf32> to vector<6144x1xf32>
    %eq3A = vector.broadcast %broadcast_in_dim3A_15 : vector<6144x1xf32> to vector<6144x1024xf32>
    %eq3A_16 = arith.cmpf oeq, %sub3A, %eq3A : vector<6144x1024xf32>
    %get3A_17 = arith.constant 0 : index
    %get3A_18 = arith.constant 0 : index
    %get3A_19 = vector.load %arg3[%get3A_17, %get3A_18] : memref<1x1024xf32, #tpu.memory_space<vmem>>, vector<1x1024xf32>
    %jit3A = arith.constant 6.553600e+04 : f32
    %broadcast_in_dim3A_20 = vector.shape_cast %get3A_19 : vector<1x1024xf32> to vector<1x1024xf32>
    %broadcast_in_dim3A_21 = vector.broadcast %broadcast_in_dim3A_20 : vector<1x1024xf32> to vector<6144x1024xf32>
    %broadcast_in_dim3A_22 = vector.broadcast %jit3A : f32 to vector<6144x1024xf32>
    %select_n3A = arith.select %eq3A_16, %broadcast_in_dim3A_21, %broadcast_in_dim3A_22 : vector<6144x1024xi1>, vector<6144x1024xf32>
    %reduce_min3A_23 = arith.constant dense<0x7F800000> : vector<6144xf32>
    %reduce_min3A_24 = vector.multi_reduction <minimumf>, %select_n3A, %reduce_min3A_23 [1] : vector<6144x1024xf32> to vector<6144xf32>
    %convert_element_type3A = arith.fptosi %reduce_min3A_24 : vector<6144xf32> to vector<6144xi32>
    %reshape3A = vector.shape_cast %convert_element_type3A : vector<6144xi32> to vector<48x128xi32>
    %swap3A = arith.constant 0 : index
    %swap3A_25 = arith.constant 0 : index
    %swap3A_26 = vector.load %arg4[%swap3A, %swap3A_25] : memref<48x128xi32, #tpu.memory_space<vmem>>, vector<48x128xi32>
    tpu.vector_store %arg4[%swap3A, %swap3A_25], %reshape3A {strides = array<i32>} : memref<48x128xi32, #tpu.memory_space<vmem>>, vector<48x128xi32>,
    %eq3A_27 = arith.constant 0 : i32
    %eq3A_28 = arith.cmpi eq, %arg0, %eq3A_27 : i32
    %convert_element_type3A_29 = arith.extui %eq3A_28 : i1 to i32
    %cond3A = arith.constant 0 : i32
    %cond3A_30 = arith.cmpi ne, %convert_element_type3A_29, %cond3A : i32
    scf.if %cond3A_30 {
      %swap3A_43 = arith.constant 0.000000e+00 : f32
      %swap3A_44 = arith.constant 0 : index
      %swap3A_45 = arith.constant 0 : index
      %swap3A_46 = memref.load %arg5[%swap3A_44, %swap3A_45] : memref<1x1xf32, #tpu.memory_space<smem>>
      memref.store %swap3A_43, %arg5[%swap3A_44, %swap3A_45] : memref<1x1xf32, #tpu.memory_space<smem>>
    } else {
    }
    %get3A_31 = arith.constant 0 : index
    %get3A_32 = arith.constant 0 : index
    %get3A_33 = memref.load %arg5[%get3A_31, %get3A_32] : memref<1x1xf32, #tpu.memory_space<smem>>
    %reduce_sum3A_34 = vector.shape_cast %reduce_min3A_14 : vector<6144xf32> to vector<1x6144xf32>
    %reduce_sum3A_35 = arith.constant dense<0.000000e+00> : vector<1xf32>
    %reduce_sum3A_36 = vector.multi_reduction <add>, %reduce_sum3A_34, %reduce_sum3A_35 [1] : vector<1x6144xf32> to vector<1xf32>
    %reduce_sum3A_37 = vector.shape_cast %reduce_sum3A_36 : vector<1xf32> to vector<1x1xf32>
    %reduce_sum3A_38 = vector.extract %reduce_sum3A_37[0, 0] : f32 from vector<1x1xf32>
    %add3A_39 = arith.addf %get3A_33, %reduce_sum3A_38 : f32
    %swap3A_40 = arith.constant 0 : index
    %swap3A_41 = arith.constant 0 : index
    %swap3A_42 = memref.load %arg5[%swap3A_40, %swap3A_41] : memref<1x1xf32, #tpu.memory_space<smem>>
    memref.store %add3A_39, %arg5[%swap3A_40, %swap3A_41] : memref<1x1xf32, #tpu.memory_space<smem>>
    return
  }
  func.func @transform_0(%arg0: i32) -> (i32, i32) {
    %add3A = arith.constant 6 : i32
    %add3A_0 = arith.addi %arg0, %add3A : i32
    %c0_i32 = arith.constant 0 : i32
    %c0_i32_1 = arith.constant 0 : i32
    return %add3A_0, %c0_i32 : i32, i32
  }
  func.func @transform_1(%arg0: i32) -> (i32, i32) {
    %c0_i32 = arith.constant 0 : i32
    %c0_i32_0 = arith.constant 0 : i32
    %c0_i32_1 = arith.constant 0 : i32
    return %c0_i32, %c0_i32_0 : i32, i32
  }
  func.func @transform_2(%arg0: i32) -> (i32, i32) {
    %c0_i32 = arith.constant 0 : i32
    %c0_i32_0 = arith.constant 0 : i32
    %c0_i32_1 = arith.constant 0 : i32
    return %c0_i32, %c0_i32_0 : i32, i32
  }
  func.func @transform_3(%arg0: i32) -> (i32, i32) {
    %c0_i32 = arith.constant 0 : i32
    %c0_i32_0 = arith.constant 0 : i32
    return %arg0, %c0_i32 : i32, i32
  }
  func.func @transform_4(%arg0: i32) -> (i32, i32) {
    %c0_i32 = arith.constant 0 : i32
    %c0_i32_0 = arith.constant 0 : i32
    %c0_i32_1 = arith.constant 0 : i32
    return %c0_i32, %c0_i32_0 : i32, i32
  }
}

</mosaic_0001>

<sc_bundles>
// kernel: kernel.6.cloned.1.call-start
scs
__scs_entry_jumppad:
0x0: {  	(pc) =	sbr.rel $0x88, $3  }
0x1: {  	(tag) =	ssettag $0x0;
	lr =	simm.s32 $0x1  }
0x2: {  	[smem:$0x3F9F] =	sst lr;
	_ =	strace $0xD0000000  }
0x3: {  	_ = 	snop  }
0x4: {  	_ = 	snop  }
0x5: {  	_ = 	snop  }
0x6: {  	_ = 	snop  }
0x7: {  	_ = 	snop  }
__scs_overlays_trampoline_lowered:
0x8: {  	[smem:$0x3FAE] =	sst s0  }
0x9: {  	[smem:$0x3FAF] =	sst s1  }
0xa: {  	[smem:$0x3FB0] =	sst s2  }
0xb: {  	[smem:$0x3FB1] =	sst s3  }
0xc: {  	[smem:$0x3FB2] =	sst s4  }
0xd: {  	[smem:$0x3FB3] =	sst s5  }
0xe: {  	[smem:$0x3FB4] =	sst s6  }
0xf: {  	[smem:$0x3FB5] =	sst s7  }
0x10: {  	[smem:$0x3FB6] =	sst s8  }
0x11: {  	[smem:$0x3FB7] =	sst s9;
	s0 =	simm.s32 @!p0 $0x0  }
0x12: {  	s1 =	sld [smem:$0x3F9D];
	s0 =	simm.s32 @p0 $0x1  }
0x13: {  	[smem:$0x3FB8] =	sst s0;
	s0 =	simm.s32 @!p1 $0x0  }
0x14: {  	s2 =	sld [smem:$0x3F9C];
	s0 =	simm.s32 @p1 $0x1  }
0x15: {  	[smem:$0x3FB9] =	sst s0;
	s0 =	simm.s32 @!p2 $0x0  }
0x16: {  	s3 =	sld [smem:$0x3FDB];
	s0 =	simm.s32 @p2 $0x1  }
0x17: {  	s4 =	simm.s32 $0x1BF5;
	[smem:$0x3FBB] =	sst s0  }
0x18: {  	s0 =	sld [smem:$0x3F9E];
	_ =	swait.ge [sflag:s4], $0x0  }
0x19: {  	s7 =	sld [smem:$0x3F9F]  }
0x1a: {  	s8 =	sadd.s32 $0xFFFFE003, lr  }
0x1b: {  	s9 =	sadd.s32 $0xFFFFFEF7, lr;
	s5 =	simm.s32 $0xFFFFFFFF;
	p2 =	slt.u32 s8, $0xFFFFF086  }
0x1c: {  	p1 =	slt.u32 s9, $0xF7A;
	s5 =	simm.s32 @!p2 $0x0  }
0x1d: {  	s5 =	simm.s32 @p1 $0x1;
	p0 =	seq.s32 s7, s2  }
0x1e: {  	s7 =	smul.u32 @!p0 $0xF7A, s2;
	p2 =	seq.s32 @!p0 s5, $0x0  }
0x1f: {  	s9 =	smul.u32 $0xF7A, s1;
	s8 =	simm.s32 @!p0 $0x1BF5;
	p2 =	por !p2, p0  }
0x20: {  	[sflag:s8] =	ssyncset.s32 @!p0 $0xFFFFF086;
	s6 =	sadd.s32 @!p0 s3, s7;
	s7 =	simm.s32 @!p0 $0x108  }
0x21: {  	s3 =	sadd.s32 s3, s9;
	s6 =	sadd.s32 @!p0 $0x88, s6;
	s7 =	simm.s32 @p2 $0x1082  }
0x22: {  	[simem:s7], [sflag:s8] =	dma.local @!p0 [hbm:s6], $0xF7A  }
0x23: {  	s9 =	sor.u32 $0xD0000000, s2;
	s6 =	simm.s32 $0x108;
	_ =	swait.ge @!p0 [sflag:s8], $0x0  }
0x24: {  	s3 =	sadd.s32 $0x88, s3;
	s6 =	simm.s32 @!p1 $0x1082;
	[sflag:s4] =	ssyncset.s32 $0xFFFFF086  }
0x25: {  	[simem:s6], [sflag:s4] =	dma.local [hbm:s3], $0xF7A  }
0x26: {  	[smem:$0x3F9F] =	sst s1;
	(tag) =	ssettag s2;
	_ =	strace s9  }
0x27: {  	s1 =	sld [smem:$0x3FAF]  }
0x28: {  	s2 =	sld [smem:$0x3FB0]  }
0x29: {  	s4 =	sld [smem:$0x3FB2]  }
0x2a: {  	p0 =	seq.s32 s5, $0x0;
	s5 =	sld [smem:$0x3FB3]  }
0x2b: {  	s6 =	sld [smem:$0x3FB4]  }
0x2c: {  	s7 =	sld [smem:$0x3FB5]  }
0x2d: {  	s3 =	simm.s32 $0x108;
	s8 =	sld [smem:$0x3FB6]  }
0x2e: {  	s3 =	simm.s32 @!p0 $0x1082;
	s9 =	sld [smem:$0x3FB7]  }
0x2f: {  	lr =	sadd.s32 s0, s3;
	s0 =	sld [smem:$0x3FAE]  }
0x30: {  	s3 =	sld [smem:$0x3FB1]  }
0x31: {  	[smem:$0x3FBA] =	sst s10  }
0x32: {  	s10 =	sld [smem:$0x3FB8];
	_ =	sdelay $0x3  }
0x33: {  	p0 =	seq.s32 s10, $0x1;
	s10 =	sld [smem:$0x3FBA];
	_ =	sdelay $0x3  }
0x34: {  	[smem:$0x3FBA] =	sst s10  }
0x35: {  	s10 =	sld [smem:$0x3FB9];
	_ =	sdelay $0x3  }
0x36: {  	p1 =	seq.s32 s10, $0x1;
	s10 =	sld [smem:$0x3FBA];
	_ =	sdelay $0x3  }
0x37: {  	[smem:$0x3FBA] =	sst s10  }
0x38: {  	s10 =	sld [smem:$0x3FBB]  }
0x39: {  	_ = 	snop;
	(pc) =	sbr.ind lr, $3  }
0x3a: {  	_ = 	snop  }
0x3b: {  	_ = 	snop  }
0x3c: {  	p2 =	seq.s32 s10, $0x1;
	s10 =	sld [smem:$0x3FBA]  }
0x3d: {  	_ =	shalt  }
0x3e: {  	_ =	shalt  }
0x3f: {  	_ =	shalt  }
0x40: {  	_ =	shalt  }
0x41: {  	_ =	shalt  }
0x42: {  	_ =	shalt  }
0x43: {  	_ =	shalt  }
0x44: {  	_ =	shalt  }
0x45: {  	_ =	shalt  }
0x46: {  	_ =	shalt  }
0x47: {  	_ =	shalt  }
0x48: {  	_ =	shalt  }
0x49: {  	_ =	shalt  }
0x4a: {  	_ =	shalt  }
0x4b: {  	_ =	shalt  }
0x4c: {  	_ =	shalt  }
0x4d: {  	_ =	shalt  }
0x4e: {  	_ =	shalt  }
0x4f: {  	_ =	shalt  }
0x50: {  	_ =	shalt  }
0x51: {  	_ =	shalt  }
0x52: {  	_ =	shalt  }
0x53: {  	_ =	shalt  }
0x54: {  	_ =	shalt  }
0x55: {  	_ =	shalt  }
0x56: {  	_ =	shalt  }
0x57: {  	_ =	shalt  }
0x58: {  	_ =	shalt  }
0x59: {  	_ =	shalt  }
0x5a: {  	_ =	shalt  }
0x5b: {  	_ =	shalt  }
0x5c: {  	_ =	shalt  }
0x5d: {  	_ =	shalt  }
0x5e: {  	_ =	shalt  }
0x5f: {  	_ =	shalt  }
0x60: {  	_ =	shalt  }
0x61: {  	_ =	shalt  }
0x62: {  	_ =	shalt  }
0x63: {  	_ =	shalt  }
0x64: {  	_ =	shalt  }
0x65: {  	_ =	shalt  }
0x66: {  	_ =	shalt  }
0x67: {  	_ =	shalt  }
0x68: {  	_ =	shalt  }
0x69: {  	_ =	shalt  }
0x6a: {  	_ =	shalt  }
0x6b: {  	_ =	shalt  }
0x6c: {  	_ =	shalt  }
0x6d: {  	_ =	shalt  }
0x6e: {  	_ =	shalt  }
0x6f: {  	_ =	shalt  }
0x70: {  	_ =	shalt  }
0x71: {  	_ =	shalt  }
0x72: {  	_ =	shalt  }
0x73: {  	_ =	shalt  }
0x74: {  	_ =	shalt  }
0x75: {  	_ =	shalt  }
0x76: {  	_ =	shalt  }
0x77: {  	_ =	shalt  }
0x78: {  	_ =	shalt  }
0x79: {  	_ =	shalt  }
0x7a: {  	_ =	shalt  }
0x7b: {  	_ =	shalt  }
0x7c: {  	_ =	shalt  }
0x7d: {  	_ =	shalt  }
0x7e: {  	_ =	shalt  }
0x7f: {  	_ =	shalt  }
0x80: {  	_ =	shalt  }
0x81: {  	_ =	shalt  }
0x82: {  	_ =	shalt  }
0x83: {  	_ =	shalt  }
0x84: {  	_ =	shalt  }
0x85: {  	_ =	shalt  }
0x86: {  	_ =	shalt  }
0x87: {  	_ =	shalt  }
.Lfunc_end0:
.L_simem_size_0:
called_computation_lowered:
.L_overlay_start_0:
0x88: {  	s2 =	sld [smem:$0x3FD9]  }
0x89: {  	s3 =	sld [smem:$0x3FFE];
	_ =	sdelay $0x1  }
0x8a: {  	s1 =	srdreg.scid  }
0x8b: {  	s0 =	sand.u32 $0x1, s1  }
0x8c: {  	s14 =	sshll.u32 s0, $0xA;
	s2 =	sadd.s32 s3, s2  }
0x8d: {  	s2 =	sadd.s32 s2, s14  }
0x8e: {  	[smem:$0x3FC6] =	sst s2  }
0x8f: {  	_ = 	snop  }
0x90: {  	s2 =	sld [smem:$0x3FD0];
	_ =	sdelay $0x2  }
0x91: {  	s15 =	simm.s32 $0xB;
	s4 =	simm.s32 $0x10  }
0x92: {  	[smem:s4], [sflag:s15] =	dma.local [hbm:s2], $0x1  }
0x93: {  	_ =	swait.eq [sflag:s15], $0x1  }
0x94: {  	[sflag:s15] =	ssyncset.done $0x0  }
0x95: {  	[sflag:s15] =	ssyncadd.s32 $0xFFFFFFFF  }
0x96: {  	s16 =	sld [smem:$0x11];
	(tm) =	ssettm $0x1  }
0x97: {  	s17 =	sld [smem:$0x3FFB];
	_ =	sdelay $0x3  }
0x98: {  	_ =	strace s17  }
0x99: {  	s3 =	sld [smem:$0x3FFC];
	_ =	sdelay $0x3  }
0x9a: {  	_ =	strace s3  }
0x9b: {  	s3 =	sld [smem:$0x3FFD];
	_ =	sdelay $0x3  }
0x9c: {  	_ =	strace s3  }
0x9d: {  	_ =	strace $0x8FFFFFFF  }
0x9e: {  	s18 =	sld [smem:$0x3FDB];
	_ =	sdelay $0x1  }
0x9f: {  	s19 =	simm.s32 $_scs_section_size  }
0xa0: {  	s5 =	simm.s32 $_size__tile_overlayer_lowered;
	s6 =	simm.s32 $_tile_overlayer_lowered  }
0xa1: {  	s22 =	simm.s32 $0x1BFF;
	s21 =	sshll.u32 s6, $0x1;
	s3 =	sadd.s32 s19, s18  }
0xa2: {  	s7 =	simm.s32 $0x0;
	s20 =	sshll.u32 s5, $0x1;
	s5 =	sadd.s32 s21, s3  }
0xa3: {  	[timem:s7], [sflag:s22] =	dma.local [hbm:s5], s20  }
0xa4: {  	_ =	swait.ge [sflag:s22], s20  }
0xa5: {  	s4 =	ssub.s32 $0x0, s20;
	[sflag:s22] =	ssyncset.done $0x0  }
0xa6: {  	[sflag:s22] =	ssyncadd.s32 s4;
	_ =	sdelay $0x1  }
0xa7: {  	s23 =	simm.s32 $0x1B8B  }
0xa8: {  	_ =	swait.ge [sflag:s23], $0x1  }
0xa9: {  	[sflag:s23] =	ssyncset.done $0x0  }
0xaa: {  	s25 =	simm.s32 $0x1B8E;
	s24 =	sld [smem:$0x3FFE];
	[sflag:s23] =	ssyncadd.s32 $0xFFFFFFFF  }
0xab: {  	s26 =	simm.s32 $execute0_lowered;
	[smem:$0x3FD2] =	sst s25  }
0xac: {  	s5 =	sshll.u32 s26, $0x1;
	_ =	strace $0x80000046;
	[dreg:$0x1] =	wrdreg $0xFFFFFFFF  }
0xad: {  	s28 =	simm.s32 $_size_execute0_lowered;
	s3 =	sadd.s32 s3, s5;
	[dreg:$0x0] =	wrdreg $0x0  }
0xae: {  	s5 =	sshll.u32 s28, $0x1;
	[dreg:$0x2] =	wrdreg s3  }
0xaf: {  	[dreg:$0x3] =	wrdreg s5  }
0xb0: {  	[dreg:$0x4] =	wrdreg $0xC0  }
0xb1: {  	_ =	task [dreg:s7], $0x5FFFF  }
0xb2: {  	[dreg:$0x1] =	wrdreg $0xFFFFFFFF  }
0xb3: {  	[dreg:$0x0] =	wrdreg $0x60  }
0xb4: {  	[dreg:$0x2] =	wrdreg s24  }
0xb5: {  	[dreg:$0x3] =	wrdreg s16  }
0xb6: {  	[dreg:$0x4] =	wrdreg $0x9  }
0xb7: {  	_ =	task.clear_ibuf [dreg:s7], $0x5FFFF;
	_ =	strace $0x90000046  }
0xb8: {  	s29 =	simm.s32 $0x9;
	_ =	strace $0x80000048  }
0xb9: {  	_ =	swait.ge [sflag:s29], $0x1  }
0xba: {  	[sflag:s29] =	ssyncadd.s32 $0xFFFFFFFF  }
0xbb: {  	_ =	strace $0x90000048  }
0xbc: {  	_ =	sfence  }
0xbd: {  	s30 =	sld [smem:$0x0];
	_ =	sdelay $0x2  }
0xbe: {  	s31 =	sshll.u32 s1, $0xD;
	s1 =	sshrl.u32 s1, $0x2  }
0xbf: {  	s3 =	sand.u32 $0x4000, s31;
	s1 =	sadd.s32 s1, s30  }
0xc0: {  	s0 =	sor.u32 s3, s0;
	s1 =	sshll.u32 s1, $0x11  }
0xc1: {  	s0 =	sor.u32 s1, s0  }
0xc2: {  	s0 =	sadd.s32 $0x8F2B, s0  }
0xc3: {  	[sflag:s0] =	ssyncadd.remote.s32 $0x1  }
0xc4: {  	_ =	sfence.sel $0xFFFF  }
0xc5: {  	[dreg:$0x0] =	wrdreg $0xFFFFFFFF;
	(pc) =	sbr.abs _section_cstart, $3  }
0xc6: {  	[dreg:$0x1] =	wrdreg $0xFFFFFFFF  }
0xc7: {  	_ =	task.clear_ibuf [dreg:s7], $0x2FFFF;
	_ =	strace $0x9FFFFFFF  }
0xc8: {  	(tm) =	ssettm $0x7FFFFFFF  }
0xc9: {  	_ =	shalt  }
tec
execute0_lowered:
.L_overlay_start_1:
0x0: {  	(tag) =	ssettag $0x1  }
0x1: {  	s1 =	srdreg.scid;
	s0 =	stileid.u32  }
0x2: {  	s12 =	sand.u32 $0x1, s1;
	s29 =	sshll.u32 s0, $0x1  }
0x3: {  	s11 =	sor.u32 s12, s29  }
0x4: {  	s5 =	rddreg [dreg:$0x0];
	s3 =	smul.u32 $0x90, s11  }
0x5: {  	s13 =	rddreg [dreg:$0x1];
	s2 =	simm.s32 $0x0  }
0x6: {  	s4 =	simm.s32 $0x5;
	[smem:$0x7FF] =	sst s2;
	s3 =	sadd.s32 s3, s5  }
0x7: {  	s1 =	rddreg [dreg:$0x2];
	_ =	strace $0x80000047;
	s3 =	sadd.s32 $0x123800, s3  }
0x8: {  	[tilespmem:s2], [sflag:$0x5] =	stream.linear.gather [hbm4b:s3+s2], $0x480, $0x38;
	[tilespmem:$0x12480] =	vst v63  }
0x9: {  	_ =	swait.ge [sflag:s4], $0x480  }
0xa: {  	s6 =	simm.s32 $0x240;
	[sflag:s4] =	ssyncset.done $0x0  }
0xb: {  	s7 =	simm.s32 $0x480;
	s5 =	sadd.s32 $0x1600, s5;
	[sflag:s4] =	ssyncadd.s32 $0xFFFFFB80  }
0xc: {  	[tilespmem:s7], [sflag:$0x1] =	stream.indirect.gather [hbm4b:s5+s6], $0x40, s2, s6, $0xb8;
	[tilespmem:$0x12480] =	vst v63  }
0xd: {  	s8 =	simm.s32 $0x9480;
	s9 =	simm.s32 $0x1;
	s10 =	smul.u32 $0x2400, s11  }
0xe: {  	[tilespmem:s8], [sflag:$0x2] =	stream.indirect.gather [hbm4b:s5+s6], $0x40, s6, s6, $0xb8;
	[tilespmem:$0x12480] =	vst v63  }
0xf: {  	s15 =	ssub.s32 $0x2, s12;
	s14 =	smul.u32 $0x12000, s11;
	_ =	swait.ge [sflag:s9], $0x9000  }
0x10: {  	s11 =	simm.s32 $0x2;
	s31 =	sshrl.u32 s15, $0x1;
	[sflag:s9] =	ssyncset.done $0x0  }
0x11: {  	s10 =	sadd.s32 s13, s10;
	s14 =	sshrl.u32 s14, $0x3;
	[sflag:s9] =	ssyncadd.s32 $0xFFFF7000  }
0x12: {  	[hbm4b:s10+s2] =	stream.linear.scatter [tilespmem:s7], [sflag:$0x3], $0x9000, $0x38;
	[tilespmem:$0x12480] =	vst v63  }
0x13: {  	s30 =	sadd.s32 s13, s14;
	s14 =	ssub.s32 s15, s31;
	_ =	swait.ge [sflag:s11], $0x9000  }
0x14: {  	s13 =	simm.s32 $0x3;
	s15 =	smax.u32 s14, $0x1;
	[sflag:s11] =	ssyncset.done $0x0  }
0x15: {  	s12 =	sadd.s32 $0x1200, s30;
	p0 =	sne.s32 s15, $0x1;
	[sflag:s11] =	ssyncadd.s32 $0xFFFF7000  }
0x16: {  	[hbm4b:s12+s2] =	stream.linear.scatter [tilespmem:s8], [sflag:$0x4], $0x9000, $0x38;
	[tilespmem:$0x12480] =	vst v63  }
.Ltmp0:
0x17: {  	_ =	swait.ge [sflag:s13], $0x9000;
	(pc) =	sbr.rel @!p0 .LBB2_2-.Ltmp0, $4  }
0x18: {  	[sflag:s13] =	ssyncset.done $0x0  }
0x19: {  	s14 =	simm.s32 $0x4;
	[sflag:s13] =	ssyncadd.s32 $0xFFFF7000  }
0x1a: {  	_ =	swait.ge [sflag:s14], $0x9000  }
0x1b: {  	s15 =	sadd.s32 $0xFFFFFFFF, s15;
	[sflag:s14] =	ssyncset.done $0x0  }
.LBB2_1:
0x1c: {  	p0 =	sne.s32 s15, $0x1;
	s15 =	sadd.s32 $0xFFFFFFFF, s15;
	[sflag:s14] =	ssyncadd.s32 $0xFFFF7000  }
0x1d: {  	[tilespmem:s2], [sflag:$0x5] =	stream.linear.gather [hbm4b:s3+s2], $0x480, $0x38;
	[tilespmem:$0x12480] =	vst v63  }
0x1e: {  	_ =	swait.ge [sflag:s4], $0x480  }
0x1f: {  	[sflag:s4] =	ssyncset.done $0x0  }
0x20: {  	[sflag:s4] =	ssyncadd.s32 $0xFFFFFB80  }
0x21: {  	[tilespmem:s7], [sflag:$0x1] =	stream.indirect.gather [hbm4b:s5+s6], $0x40, s2, s6, $0xb8;
	[tilespmem:$0x12480] =	vst v63  }
0x22: {  	_ = 	snop  }
0x23: {  	[tilespmem:s8], [sflag:$0x2] =	stream.indirect.gather [hbm4b:s5+s6], $0x40, s6, s6, $0xb8;
	[tilespmem:$0x12480] =	vst v63  }
0x24: {  	_ =	swait.ge [sflag:s9], $0x9000  }
0x25: {  	[sflag:s9] =	ssyncset.done $0x0  }
0x26: {  	[sflag:s9] =	ssyncadd.s32 $0xFFFF7000  }
0x27: {  	[hbm4b:s10+s2] =	stream.linear.scatter [tilespmem:s7], [sflag:$0x3], $0x9000, $0x38;
	[tilespmem:$0x12480] =	vst v63  }
0x28: {  	_ =	swait.ge [sflag:s11], $0x9000  }
0x29: {  	[sflag:s11] =	ssyncset.done $0x0  }
0x2a: {  	[sflag:s11] =	ssyncadd.s32 $0xFFFF7000  }
0x2b: {  	[hbm4b:s12+s2] =	stream.linear.scatter [tilespmem:s8], [sflag:$0x4], $0x9000, $0x38;
	[tilespmem:$0x12480] =	vst v63  }
.Ltmp1:
0x2c: {  	_ =	swait.ge [sflag:s13], $0x9000;
	(pc) =	sbr.rel @p0 .LBB2_1-.Ltmp1, $4  }
0x2d: {  	[sflag:s13] =	ssyncset.done $0x0  }
0x2e: {  	[sflag:s13] =	ssyncadd.s32 $0xFFFF7000  }
0x2f: {  	_ =	swait.ge [sflag:s14], $0x9000  }
0x30: {  	[sflag:s14] =	ssyncset.done $0x0  }
.LBB2_2:
0x31: {  	[sflag:s14] =	ssyncadd.s32 $0xFFFF7000  }
0x32: {  	_ =	sfence.sel $0x180000  }
0x33: {  	[bflag:$0x0] =	sbarrier.arrive $0xFFFF  }
0x34: {  	p0 =	sne.s32 s0, $0x0;
	_ =	strace $0x90000047  }
0x35: {  	s0 =	sadd.s32 @!p0 $0x100000, s1;
	[bflag:$0x2] =	sbarrier.arrive $0xFFFF  }
0x36: {  	[sflag:s0] =	ssyncadd.tile.s32 @!p0 $0x1;
	_ =	shalt  }
.Lfunc_end2:
_tile_overlayer_lowered:
.L_overlay_start_2:
0x37: {  	(tag) =	ssettag $0x2  }
0x38: {  	s0 =	rddreg [dreg:$0x0];
	s2 =	stileid.u32  }
0x39: {  	s1 =	rddreg [dreg:$0x1];
	p0 =	sne.s32 s2, $0x0  }
0x3a: {  	s3 =	rddreg [dreg:$0x2];
	[bflag:$0x3] =	sbarrier.arrive $0xFFFF;
	s2 =	simm.s32 @!p0 $0x1C05  }
0x3b: {  	[timem:s3], [sflag:s2] =	dma.local @!p0 [hbm:s0], s1  }
0x3c: {  	s0 =	simm.s32 @!p0 $0x5  }
0x3d: {  	_ =	swait.ge @!p0 [sflag:s0], s1  }
0x3e: {  	s1 =	ssub.s32 @!p0 $0x0, s1;
	[sflag:s0] =	ssyncset.done @!p0 $0x0  }
0x3f: {  	[sflag:s0] =	ssyncadd.s32 @!p0 s1  }
0x40: {  	[bflag:$0x3] =	sbarrier.arrive $0xFFFF  }
0x41: {  	_ =	shalt  }

// kernel: kernel.9.cloned.1.call-start
scs
__scs_entry_jumppad:
0x0: {  	(pc) =	sbr.rel $0x88, $3  }
0x1: {  	(tag) =	ssettag $0x0;
	lr =	simm.s32 $0x1  }
0x2: {  	[smem:$0x3F9F] =	sst lr;
	_ =	strace $0xD0000000  }
0x3: {  	_ = 	snop  }
0x4: {  	_ = 	snop  }
0x5: {  	_ = 	snop  }
0x6: {  	_ = 	snop  }
0x7: {  	_ = 	snop  }
__scs_overlays_trampoline_lowered:
0x8: {  	[smem:$0x3FAE] =	sst s0  }
0x9: {  	[smem:$0x3FAF] =	sst s1  }
0xa: {  	[smem:$0x3FB0] =	sst s2  }
0xb: {  	[smem:$0x3FB1] =	sst s3  }
0xc: {  	[smem:$0x3FB2] =	sst s4  }
0xd: {  	[smem:$0x3FB3] =	sst s5  }
0xe: {  	[smem:$0x3FB4] =	sst s6  }
0xf: {  	[smem:$0x3FB5] =	sst s7  }
0x10: {  	[smem:$0x3FB6] =	sst s8  }
0x11: {  	[smem:$0x3FB7] =	sst s9;
	s0 =	simm.s32 @!p0 $0x0  }
0x12: {  	s1 =	sld [smem:$0x3F9D];
	s0 =	simm.s32 @p0 $0x1  }
0x13: {  	[smem:$0x3FB8] =	sst s0;
	s0 =	simm.s32 @!p1 $0x0  }
0x14: {  	s2 =	sld [smem:$0x3F9C];
	s0 =	simm.s32 @p1 $0x1  }
0x15: {  	[smem:$0x3FB9] =	sst s0;
	s0 =	simm.s32 @!p2 $0x0  }
0x16: {  	s3 =	sld [smem:$0x3FDB];
	s0 =	simm.s32 @p2 $0x1  }
0x17: {  	s4 =	simm.s32 $0x1BF5;
	[smem:$0x3FBB] =	sst s0  }
0x18: {  	s0 =	sld [smem:$0x3F9E];
	_ =	swait.ge [sflag:s4], $0x0  }
0x19: {  	s7 =	sld [smem:$0x3F9F]  }
0x1a: {  	s8 =	sadd.s32 $0xFFFFE003, lr  }
0x1b: {  	s9 =	sadd.s32 $0xFFFFFEF7, lr;
	s5 =	simm.s32 $0xFFFFFFFF;
	p2 =	slt.u32 s8, $0xFFFFF086  }
0x1c: {  	p1 =	slt.u32 s9, $0xF7A;
	s5 =	simm.s32 @!p2 $0x0  }
0x1d: {  	s5 =	simm.s32 @p1 $0x1;
	p0 =	seq.s32 s7, s2  }
0x1e: {  	s7 =	smul.u32 @!p0 $0xF7A, s2;
	p2 =	seq.s32 @!p0 s5, $0x0  }
0x1f: {  	s9 =	smul.u32 $0xF7A, s1;
	s8 =	simm.s32 @!p0 $0x1BF5;
	p2 =	por !p2, p0  }
0x20: {  	[sflag:s8] =	ssyncset.s32 @!p0 $0xFFFFF086;
	s6 =	sadd.s32 @!p0 s3, s7;
	s7 =	simm.s32 @!p0 $0x108  }
0x21: {  	s3 =	sadd.s32 s3, s9;
	s6 =	sadd.s32 @!p0 $0x88, s6;
	s7 =	simm.s32 @p2 $0x1082  }
0x22: {  	[simem:s7], [sflag:s8] =	dma.local @!p0 [hbm:s6], $0xF7A  }
0x23: {  	s9 =	sor.u32 $0xD0000000, s2;
	s6 =	simm.s32 $0x108;
	_ =	swait.ge @!p0 [sflag:s8], $0x0  }
0x24: {  	s3 =	sadd.s32 $0x88, s3;
	s6 =	simm.s32 @!p1 $0x1082;
	[sflag:s4] =	ssyncset.s32 $0xFFFFF086  }
0x25: {  	[simem:s6], [sflag:s4] =	dma.local [hbm:s3], $0xF7A  }
0x26: {  	[smem:$0x3F9F] =	sst s1;
	(tag) =	ssettag s2;
	_ =	strace s9  }
0x27: {  	s1 =	sld [smem:$0x3FAF]  }
0x28: {  	s2 =	sld [smem:$0x3FB0]  }
0x29: {  	s4 =	sld [smem:$0x3FB2]  }
0x2a: {  	p0 =	seq.s32 s5, $0x0;
	s5 =	sld [smem:$0x3FB3]  }
0x2b: {  	s6 =	sld [smem:$0x3FB4]  }
0x2c: {  	s7 =	sld [smem:$0x3FB5]  }
0x2d: {  	s3 =	simm.s32 $0x108;
	s8 =	sld [smem:$0x3FB6]  }
0x2e: {  	s3 =	simm.s32 @!p0 $0x1082;
	s9 =	sld [smem:$0x3FB7]  }
0x2f: {  	lr =	sadd.s32 s0, s3;
	s0 =	sld [smem:$0x3FAE]  }
0x30: {  	s3 =	sld [smem:$0x3FB1]  }
0x31: {  	[smem:$0x3FBA] =	sst s10  }
0x32: {  	s10 =	sld [smem:$0x3FB8];
	_ =	sdelay $0x3  }
0x33: {  	p0 =	seq.s32 s10, $0x1;
	s10 =	sld [smem:$0x3FBA];
	_ =	sdelay $0x3  }
0x34: {  	[smem:$0x3FBA] =	sst s10  }
0x35: {  	s10 =	sld [smem:$0x3FB9];
	_ =	sdelay $0x3  }
0x36: {  	p1 =	seq.s32 s10, $0x1;
	s10 =	sld [smem:$0x3FBA];
	_ =	sdelay $0x3  }
0x37: {  	[smem:$0x3FBA] =	sst s10  }
0x38: {  	s10 =	sld [smem:$0x3FBB]  }
0x39: {  	_ = 	snop;
	(pc) =	sbr.ind lr, $3  }
0x3a: {  	_ = 	snop  }
0x3b: {  	_ = 	snop  }
0x3c: {  	p2 =	seq.s32 s10, $0x1;
	s10 =	sld [smem:$0x3FBA]  }
0x3d: {  	_ =	shalt  }
0x3e: {  	_ =	shalt  }
0x3f: {  	_ =	shalt  }
0x40: {  	_ =	shalt  }
0x41: {  	_ =	shalt  }
0x42: {  	_ =	shalt  }
0x43: {  	_ =	shalt  }
0x44: {  	_ =	shalt  }
0x45: {  	_ =	shalt  }
0x46: {  	_ =	shalt  }
0x47: {  	_ =	shalt  }
0x48: {  	_ =	shalt  }
0x49: {  	_ =	shalt  }
0x4a: {  	_ =	shalt  }
0x4b: {  	_ =	shalt  }
0x4c: {  	_ =	shalt  }
0x4d: {  	_ =	shalt  }
0x4e: {  	_ =	shalt  }
0x4f: {  	_ =	shalt  }
0x50: {  	_ =	shalt  }
0x51: {  	_ =	shalt  }
0x52: {  	_ =	shalt  }
0x53: {  	_ =	shalt  }
0x54: {  	_ =	shalt  }
0x55: {  	_ =	shalt  }
0x56: {  	_ =	shalt  }
0x57: {  	_ =	shalt  }
0x58: {  	_ =	shalt  }
0x59: {  	_ =	shalt  }
0x5a: {  	_ =	shalt  }
0x5b: {  	_ =	shalt  }
0x5c: {  	_ =	shalt  }
0x5d: {  	_ =	shalt  }
0x5e: {  	_ =	shalt  }
0x5f: {  	_ =	shalt  }
0x60: {  	_ =	shalt  }
0x61: {  	_ =	shalt  }
0x62: {  	_ =	shalt  }
0x63: {  	_ =	shalt  }
0x64: {  	_ =	shalt  }
0x65: {  	_ =	shalt  }
0x66: {  	_ =	shalt  }
0x67: {  	_ =	shalt  }
0x68: {  	_ =	shalt  }
0x69: {  	_ =	shalt  }
0x6a: {  	_ =	shalt  }
0x6b: {  	_ =	shalt  }
0x6c: {  	_ =	shalt  }
0x6d: {  	_ =	shalt  }
0x6e: {  	_ =	shalt  }
0x6f: {  	_ =	shalt  }
0x70: {  	_ =	shalt  }
0x71: {  	_ =	shalt  }
0x72: {  	_ =	shalt  }
0x73: {  	_ =	shalt  }
0x74: {  	_ =	shalt  }
0x75: {  	_ =	shalt  }
0x76: {  	_ =	shalt  }
0x77: {  	_ =	shalt  }
0x78: {  	_ =	shalt  }
0x79: {  	_ =	shalt  }
0x7a: {  	_ =	shalt  }
0x7b: {  	_ =	shalt  }
0x7c: {  	_ =	shalt  }
0x7d: {  	_ =	shalt  }
0x7e: {  	_ =	shalt  }
0x7f: {  	_ =	shalt  }
0x80: {  	_ =	shalt  }
0x81: {  	_ =	shalt  }
0x82: {  	_ =	shalt  }
0x83: {  	_ =	shalt  }
0x84: {  	_ =	shalt  }
0x85: {  	_ =	shalt  }
0x86: {  	_ =	shalt  }
0x87: {  	_ =	shalt  }
.Lfunc_end0:
.L_simem_size_0:
called_computation.1_lowered:
.L_overlay_start_0:
0x88: {  	s2 =	sld [smem:$0x3FD9]  }
0x89: {  	s3 =	sld [smem:$0x3FFE];
	_ =	sdelay $0x1  }
0x8a: {  	s1 =	srdreg.scid  }
0x8b: {  	s0 =	sand.u32 $0x1, s1  }
0x8c: {  	s15 =	sshll.u32 s0, $0xA;
	s2 =	sadd.s32 s3, s2  }
0x8d: {  	s2 =	sadd.s32 s2, s15  }
0x8e: {  	[smem:$0x3FC6] =	sst s2  }
0x8f: {  	_ = 	snop  }
0x90: {  	s2 =	sld [smem:$0x3FD0];
	_ =	sdelay $0x2  }
0x91: {  	s16 =	simm.s32 $0xB;
	s4 =	simm.s32 $0x10  }
0x92: {  	[smem:s4], [sflag:s16] =	dma.local [hbm:s2], $0x1  }
0x93: {  	_ =	swait.eq [sflag:s16], $0x1  }
0x94: {  	[sflag:s16] =	ssyncset.done $0x0  }
0x95: {  	[sflag:s16] =	ssyncadd.s32 $0xFFFFFFFF  }
0x96: {  	s17 =	sld [smem:$0x10];
	(tm) =	ssettm $0x1  }
0x97: {  	s18 =	sld [smem:$0x3FFB];
	_ =	sdelay $0x3  }
0x98: {  	_ =	strace s18  }
0x99: {  	s2 =	sld [smem:$0x3FFC];
	_ =	sdelay $0x3  }
0x9a: {  	_ =	strace s2  }
0x9b: {  	s2 =	sld [smem:$0x3FFD];
	_ =	sdelay $0x3  }
0x9c: {  	_ =	strace s2  }
0x9d: {  	_ =	strace $0x8FFFFFFF  }
0x9e: {  	s19 =	sld [smem:$0x3FDB];
	_ =	sdelay $0x1  }
0x9f: {  	s20 =	simm.s32 $_scs_section_size  }
0xa0: {  	s5 =	simm.s32 $_size__tile_overlayer_lowered;
	s6 =	simm.s32 $_tile_overlayer_lowered  }
0xa1: {  	s7 =	simm.s32 $0x1BFF;
	s21 =	sshll.u32 s6, $0x1;
	s4 =	sadd.s32 s20, s19  }
0xa2: {  	s22 =	simm.s32 $0x0;
	s5 =	sshll.u32 s5, $0x1;
	s6 =	sadd.s32 s21, s4  }
0xa3: {  	[timem:s22], [sflag:s7] =	dma.local [hbm:s6], s5  }
0xa4: {  	_ =	swait.ge [sflag:s7], s5  }
0xa5: {  	s5 =	ssub.s32 $0x0, s5;
	[sflag:s7] =	ssyncset.done $0x0  }
0xa6: {  	[sflag:s7] =	ssyncadd.s32 s5;
	_ =	sdelay $0x1  }
0xa7: {  	s23 =	simm.s32 $0x1B8B  }
0xa8: {  	_ =	swait.ge [sflag:s23], $0x1  }
0xa9: {  	[sflag:s23] =	ssyncset.done $0x0  }
0xaa: {  	[sflag:s23] =	ssyncadd.s32 $0xFFFFFFFF  }
0xab: {  	s5 =	sld [smem:$0x0]  }
0xac: {  	s6 =	sand.u32 $0xFFFFFFFE, s1  }
0xad: {  	p0 =	sne.s32 s1, s6  }
0xae: {  	s6 =	sshll.u32 @p0 s6, $0xE  }
0xaf: {  	s6 =	sadd.s32 @p0 $0x11B8D, s6;
	s7 =	sshll.u32 @p0 s5, $0x11  }
0xb0: {  	s6 =	sor.u32 @p0 s7, s6  }
0xb1: {  	[sflag:s6] =	ssyncadd.remote.s32 @p0 $0x1;
	_ =	sdelay $0x1  }
0xb2: {  	s6 =	simm.s32 @p0 $0x1B8D  }
0xb3: {  	_ =	swait.eq @p0 [sflag:s6], $0x1  }
0xb4: {  	[sflag:s6] =	ssyncadd.s32 @p0 $0xFFFFFFFF  }
0xb5: {  	s7 =	sshll.u32 @!p0 s1, $0xE  }
0xb6: {  	s7 =	sor.u32 @!p0 $0x4000, s7;
	s6 =	simm.s32 @!p0 $0x1B8D  }
0xb7: {  	s5 =	sshll.u32 @!p0 s5, $0x11;
	s7 =	sadd.s32 @!p0 $0x11B8D, s7;
	_ =	swait.eq @!p0 [sflag:s6], $0x1  }
0xb8: {  	s5 =	sor.u32 @!p0 s5, s7;
	[sflag:s6] =	ssyncadd.s32 @!p0 $0xFFFFFFFF  }
0xb9: {  	s25 =	simm.s32 $0x1B8E;
	s24 =	sld [smem:$0x3FFE];
	[sflag:s5] =	ssyncadd.remote.s32 @!p0 $0x1  }
0xba: {  	s26 =	simm.s32 $execute0_lowered;
	[smem:$0x3FD2] =	sst s25  }
0xbb: {  	s6 =	sshll.u32 s26, $0x1;
	_ =	strace $0x80000049;
	[dreg:$0x1] =	wrdreg $0xFFFFFFFF  }
0xbc: {  	s28 =	simm.s32 $_size_execute0_lowered;
	s4 =	sadd.s32 s4, s6;
	[dreg:$0x0] =	wrdreg $0x0  }
0xbd: {  	s6 =	sshll.u32 s28, $0x1;
	[dreg:$0x2] =	wrdreg s4  }
0xbe: {  	[dreg:$0x3] =	wrdreg s6  }
0xbf: {  	[dreg:$0x4] =	wrdreg $0xC0  }
0xc0: {  	_ =	task [dreg:s22], $0x5FFFF  }
0xc1: {  	[dreg:$0x1] =	wrdreg $0xFFFFFFFF  }
0xc2: {  	[dreg:$0x0] =	wrdreg $0x60  }
0xc3: {  	[dreg:$0x2] =	wrdreg s24  }
0xc4: {  	[dreg:$0x3] =	wrdreg s17  }
0xc5: {  	[dreg:$0x4] =	wrdreg $0xA  }
0xc6: {  	_ =	task.clear_ibuf [dreg:s22], $0x5FFFF;
	_ =	strace $0x90000049  }
0xc7: {  	s29 =	simm.s32 $0xA;
	_ =	strace $0x8000004B  }
0xc8: {  	_ =	swait.ge [sflag:s29], $0x1  }
0xc9: {  	[sflag:s29] =	ssyncadd.s32 $0xFFFFFFFF  }
0xca: {  	_ =	strace $0x9000004B  }
0xcb: {  	_ =	sfence  }
0xcc: {  	s30 =	sld [smem:$0x0];
	_ =	sdelay $0x2  }
0xcd: {  	s31 =	sshll.u32 s1, $0xD;
	s1 =	sshrl.u32 s1, $0x2  }
0xce: {  	s4 =	sand.u32 $0x4000, s31;
	s1 =	sadd.s32 s1, s30  }
0xcf: {  	s0 =	sor.u32 s4, s0;
	s1 =	sshll.u32 s1, $0x11  }
0xd0: {  	s0 =	sor.u32 s1, s0  }
0xd1: {  	s0 =	sadd.s32 $0x8F2B, s0  }
0xd2: {  	[sflag:s0] =	ssyncadd.remote.s32 $0x1  }
0xd3: {  	_ =	sfence.sel $0xFFFF  }
0xd4: {  	[dreg:$0x0] =	wrdreg $0xFFFFFFFF;
	(pc) =	sbr.abs _section_cstart, $3  }
0xd5: {  	[dreg:$0x1] =	wrdreg $0xFFFFFFFF  }
0xd6: {  	_ =	task.clear_ibuf [dreg:s22], $0x2FFFF;
	_ =	strace $0x9FFFFFFF  }
0xd7: {  	(tm) =	ssettm $0x7FFFFFFF  }
tec
execute0_lowered:
.L_overlay_start_1:
0x0: {  	(tag) =	ssettag $0x1  }
0x1: {  	s1 =	srdreg.scid;
	s0 =	stileid.u32  }
0x2: {  	s12 =	sand.u32 $0x1, s1;
	s29 =	sshll.u32 s0, $0x1  }
0x3: {  	s11 =	sor.u32 s12, s29  }
0x4: {  	s5 =	rddreg [dreg:$0x0];
	s3 =	smul.u32 $0x90, s11  }
0x5: {  	s13 =	rddreg [dreg:$0x1];
	s2 =	simm.s32 $0x0  }
0x6: {  	s4 =	simm.s32 $0x5;
	[smem:$0x7FF] =	sst s2;
	s3 =	sadd.s32 s3, s5  }
0x7: {  	s1 =	rddreg [dreg:$0x2];
	_ =	strace $0x8000004A;
	s3 =	sadd.s32 $0x3600, s3  }
0x8: {  	[tilespmem:s2], [sflag:$0x5] =	stream.linear.gather [hbm4b:s3+s2], $0x480, $0x38;
	[tilespmem:$0x12480] =	vst v63  }
0x9: {  	_ =	swait.ge [sflag:s4], $0x480  }
0xa: {  	s6 =	simm.s32 $0x240;
	[sflag:s4] =	ssyncset.done $0x0  }
0xb: {  	s7 =	simm.s32 $0x480;
	s5 =	sadd.s32 $0x1600, s5;
	[sflag:s4] =	ssyncadd.s32 $0xFFFFFB80  }
0xc: {  	[tilespmem:s7], [sflag:$0x1] =	stream.indirect.gather [hbm4b:s5+s6], $0x40, s2, s6, $0xb8;
	[tilespmem:$0x12480] =	vst v63  }
0xd: {  	s8 =	simm.s32 $0x9480;
	s9 =	simm.s32 $0x1;
	s10 =	smul.u32 $0x2400, s11  }
0xe: {  	[tilespmem:s8], [sflag:$0x2] =	stream.indirect.gather [hbm4b:s5+s6], $0x40, s6, s6, $0xb8;
	[tilespmem:$0x12480] =	vst v63  }
0xf: {  	s15 =	ssub.s32 $0x2, s12;
	s14 =	smul.u32 $0x12000, s11;
	_ =	swait.ge [sflag:s9], $0x9000  }
0x10: {  	s11 =	simm.s32 $0x2;
	s31 =	sshrl.u32 s15, $0x1;
	[sflag:s9] =	ssyncset.done $0x0  }
0x11: {  	s10 =	sadd.s32 s13, s10;
	s14 =	sshrl.u32 s14, $0x3;
	[sflag:s9] =	ssyncadd.s32 $0xFFFF7000  }
0x12: {  	[hbm4b:s10+s2] =	stream.linear.scatter [tilespmem:s7], [sflag:$0x3], $0x9000, $0x38;
	[tilespmem:$0x12480] =	vst v63  }
0x13: {  	s30 =	sadd.s32 s13, s14;
	s14 =	ssub.s32 s15, s31;
	_ =	swait.ge [sflag:s11], $0x9000  }
0x14: {  	s13 =	simm.s32 $0x3;
	s15 =	smax.u32 s14, $0x1;
	[sflag:s11] =	ssyncset.done $0x0  }
0x15: {  	s12 =	sadd.s32 $0x1200, s30;
	p0 =	sne.s32 s15, $0x1;
	[sflag:s11] =	ssyncadd.s32 $0xFFFF7000  }
0x16: {  	[hbm4b:s12+s2] =	stream.linear.scatter [tilespmem:s8], [sflag:$0x4], $0x9000, $0x38;
	[tilespmem:$0x12480] =	vst v63  }
.Ltmp0:
0x17: {  	_ =	swait.ge [sflag:s13], $0x9000;
	(pc) =	sbr.rel @!p0 .LBB2_2-.Ltmp0, $4  }
0x18: {  	[sflag:s13] =	ssyncset.done $0x0  }
0x19: {  	s14 =	simm.s32 $0x4;
	[sflag:s13] =	ssyncadd.s32 $0xFFFF7000  }
0x1a: {  	_ =	swait.ge [sflag:s14], $0x9000  }
0x1b: {  	s15 =	sadd.s32 $0xFFFFFFFF, s15;
	[sflag:s14] =	ssyncset.done $0x0  }
.LBB2_1:
0x1c: {  	p0 =	sne.s32 s15, $0x1;
	s15 =	sadd.s32 $0xFFFFFFFF, s15;
	[sflag:s14] =	ssyncadd.s32 $0xFFFF7000  }
0x1d: {  	[tilespmem:s2], [sflag:$0x5] =	stream.linear.gather [hbm4b:s3+s2], $0x480, $0x38;
	[tilespmem:$0x12480] =	vst v63  }
0x1e: {  	_ =	swait.ge [sflag:s4], $0x480  }
0x1f: {  	[sflag:s4] =	ssyncset.done $0x0  }
0x20: {  	[sflag:s4] =	ssyncadd.s32 $0xFFFFFB80  }
0x21: {  	[tilespmem:s7], [sflag:$0x1] =	stream.indirect.gather [hbm4b:s5+s6], $0x40, s2, s6, $0xb8;
	[tilespmem:$0x12480] =	vst v63  }
0x22: {  	_ = 	snop  }
0x23: {  	[tilespmem:s8], [sflag:$0x2] =	stream.indirect.gather [hbm4b:s5+s6], $0x40, s6, s6, $0xb8;
	[tilespmem:$0x12480] =	vst v63  }
0x24: {  	_ =	swait.ge [sflag:s9], $0x9000  }
0x25: {  	[sflag:s9] =	ssyncset.done $0x0  }
0x26: {  	[sflag:s9] =	ssyncadd.s32 $0xFFFF7000  }
0x27: {  	[hbm4b:s10+s2] =	stream.linear.scatter [tilespmem:s7], [sflag:$0x3], $0x9000, $0x38;
	[tilespmem:$0x12480] =	vst v63  }
0x28: {  	_ =	swait.ge [sflag:s11], $0x9000  }
0x29: {  	[sflag:s11] =	ssyncset.done $0x0  }
0x2a: {  	[sflag:s11] =	ssyncadd.s32 $0xFFFF7000  }
0x2b: {  	[hbm4b:s12+s2] =	stream.linear.scatter [tilespmem:s8], [sflag:$0x4], $0x9000, $0x38;
	[tilespmem:$0x12480] =	vst v63  }
.Ltmp1:
0x2c: {  	_ =	swait.ge [sflag:s13], $0x9000;
	(pc) =	sbr.rel @p0 .LBB2_1-.Ltmp1, $4  }
0x2d: {  	[sflag:s13] =	ssyncset.done $0x0  }
0x2e: {  	[sflag:s13] =	ssyncadd.s32 $0xFFFF7000  }
0x2f: {  	_ =	swait.ge [sflag:s14], $0x9000  }
0x30: {  	[sflag:s14] =	ssyncset.done $0x0  }
.LBB2_2:
0x31: {  	[sflag:s14] =	ssyncadd.s32 $0xFFFF7000  }
0x32: {  	_ =	sfence.sel $0x180000  }
0x33: {  	[bflag:$0x0] =	sbarrier.arrive $0xFFFF  }
0x34: {  	p0 =	sne.s32 s0, $0x0;
	_ =	strace $0x9000004A  }
0x35: {  	s0 =	sadd.s32 @!p0 $0x100000, s1;
	[bflag:$0x2] =	sbarrier.arrive $0xFFFF  }
0x36: {  	[sflag:s0] =	ssyncadd.tile.s32 @!p0 $0x1;
	_ =	shalt  }
.Lfunc_end2:
_tile_overlayer_lowered:
.L_overlay_start_2:
0x37: {  	(tag) =	ssettag $0x2  }
0x38: {  	s0 =	rddreg [dreg:$0x0];
	s2 =	stileid.u32  }
0x39: {  	s1 =	rddreg [dreg:$0x1];
	p0 =	sne.s32 s2, $0x0  }
0x3a: {  	s3 =	rddreg [dreg:$0x2];
	[bflag:$0x3] =	sbarrier.arrive $0xFFFF;
	s2 =	simm.s32 @!p0 $0x1C05  }
0x3b: {  	[timem:s3], [sflag:s2] =	dma.local @!p0 [hbm:s0], s1  }
0x3c: {  	s0 =	simm.s32 @!p0 $0x5  }
0x3d: {  	_ =	swait.ge @!p0 [sflag:s0], s1  }
0x3e: {  	s1 =	ssub.s32 @!p0 $0x0, s1;
	[sflag:s0] =	ssyncset.done @!p0 $0x0  }
0x3f: {  	[sflag:s0] =	ssyncadd.s32 @!p0 s1  }
0x40: {  	[bflag:$0x3] =	sbarrier.arrive $0xFFFF  }
0x41: {  	_ =	shalt  }

</sc_bundles>
